<compile_context>
chip_gen: v7x
topology: tpu7x:2x2x1
jax: 0.10.2.dev20260603
libtpu: 0.0.44.dev20260713+nightly
codegen_flags: <defaults>
</compile_context>

<pallas_src>
import functools

import jax
import jax.numpy as jnp
from jax import lax
from jax.experimental import pallas as pl
from jax.experimental.pallas import tpu as pltpu
from jax.experimental.pallas import tpu_sc as plsc

_N = 100000
_C = 100
_NW = 32
_CB = 384
_GROUPS = _CB // 16
_COLS_HEAVY = 9 * _CB
_COLS_LIGHT = 8 * _CB
_TAIL = 256
_TAIL_GROUPS = _TAIL // 16
_TAIL_BASE = 260 * _CB
_TAIL_USED = _N - _TAIL_BASE
_TAIL_SET_GROUPS = _TAIL_USED // 16

_mesh = plsc.VectorSubcoreMesh(core_axis_name="c", subcore_axis_name="s")


@functools.partial(
    pl.kernel,
    out_type=(
        jax.ShapeDtypeStruct((_C, _N), jnp.float32),
        jax.ShapeDtypeStruct((_C, _TAIL), jnp.float32),
    ),
    mesh=_mesh,
    scratch_types=[
        pltpu.VMEM((_COLS_LIGHT,), jnp.int32),
        pltpu.VMEM((_CB,), jnp.int32),
        pltpu.VMEM((_TAIL_USED,), jnp.int32),
        pltpu.VMEM((120,), jnp.int32),
        pltpu.VMEM((_C, _CB), jnp.float32),
        pltpu.VMEM((_C, _CB), jnp.float32),
        pltpu.VMEM((_C, _TAIL), jnp.float32),
        pltpu.VMEM((_CB,), jnp.int32),
        pltpu.VMEM((_CB,), jnp.int32),
        pltpu.SemaphoreType.DMA,
        pltpu.SemaphoreType.DMA,
        pltpu.SemaphoreType.DMA,
    ],
    compiler_params=pltpu.CompilerParams(needs_layout_passes=False),
)
def _onehot_sc(z_hbm, tab_hbm, out_hbm, tail_hbm,
               zbuf, zext, ztail, tabv, buf0, buf1, tbuf, sv0, sv1,
               sem0, sem1, sem2):
    wid = lax.axis_index("s") * 2 + lax.axis_index("c")
    base = jnp.minimum(wid, 4) * _COLS_HEAVY + jnp.maximum(wid - 4, 0) * _COLS_LIGHT

    pltpu.sync_copy(tab_hbm, tabv)
    pltpu.sync_copy(z_hbm.at[pl.ds(base, _COLS_LIGHT)], zbuf)

    @pl.when(wid < 4)
    def _():
        pltpu.sync_copy(z_hbm.at[pl.ds(base + _COLS_LIGHT, _CB)], zext)

    @pl.when(wid == _NW - 1)
    def _():
        pltpu.sync_copy(z_hbm.at[pl.ds(_TAIL_BASE, _TAIL_USED)], ztail)

    lanes = lax.broadcasted_iota(jnp.int32, (16,), 0)
    ones = jnp.ones((16,), jnp.float32)
    zeros = jnp.zeros((16,), jnp.float32)

    def zero_buf(buf, ngroups):
        def row(r, _):
            for g in range(ngroups):
                buf[r, pl.ds(16 * g, 16)] = zeros
            return 0
        lax.fori_loop(0, _C, row, 0)

    def out_dst(c):
        return out_hbm.at[:, pl.ds(base + c * _CB, _CB)]

    def set_chunk(zsrc, zoff, buf, sv, ngroups):
        def grp(g, _):
            z = zsrc[pl.ds(zoff + 16 * g, 16)]
            idx = plsc.load_gather(tabv, [z])
            cols = lanes + 16 * g
            plsc.store_scatter(buf, [idx, cols], ones)
            if sv is not None:
                sv[pl.ds(16 * g, 16)] = idx
            return 0
        lax.fori_loop(0, ngroups, grp, 0)

    def clear_chunk(buf, sv):
        def grp(g, _):
            idx = sv[pl.ds(16 * g, 16)]
            cols = lanes + 16 * g
            plsc.store_scatter(buf, [idx, cols], zeros)
            return 0
        lax.fori_loop(0, _GROUPS, grp, 0)

    zero_buf(buf0, _GROUPS)
    set_chunk(zbuf, 0, buf0, sv0, _GROUPS)
    pltpu.async_copy(buf0, out_dst(0), sem0)
    zero_buf(buf1, _GROUPS)
    set_chunk(zbuf, _CB, buf1, sv1, _GROUPS)
    pltpu.async_copy(buf1, out_dst(1), sem1)

    def pair(k, _):
        c0 = 2 * k
        pltpu.make_async_copy(buf0, out_dst(c0 - 2), sem0).wait()
        clear_chunk(buf0, sv0)
        set_chunk(zbuf, c0 * _CB, buf0, sv0, _GROUPS)
        pltpu.async_copy(buf0, out_dst(c0), sem0)
        c1 = c0 + 1
        pltpu.make_async_copy(buf1, out_dst(c1 - 2), sem1).wait()
        clear_chunk(buf1, sv1)
        set_chunk(zbuf, c1 * _CB, buf1, sv1, _GROUPS)
        pltpu.async_copy(buf1, out_dst(c1), sem1)
        return 0

    lax.fori_loop(1, 4, pair, 0)

    @pl.when(wid < 4)
    def _():
        pltpu.make_async_copy(buf0, out_dst(6), sem0).wait()
        clear_chunk(buf0, sv0)
        set_chunk(zext, 0, buf0, sv0, _GROUPS)
        pltpu.async_copy(buf0, out_dst(8), sem0)
        pltpu.make_async_copy(buf1, out_dst(7), sem1).wait()
        pltpu.make_async_copy(buf0, out_dst(8), sem0).wait()

    @pl.when(wid == _NW - 1)
    def _():
        zero_buf(tbuf, _TAIL_GROUPS)
        set_chunk(ztail, 0, tbuf, None, _TAIL_SET_GROUPS)
        pltpu.async_copy(tbuf, tail_hbm, sem2)
        pltpu.make_async_copy(buf0, out_dst(6), sem0).wait()
        pltpu.make_async_copy(buf1, out_dst(7), sem1).wait()
        pltpu.make_async_copy(tbuf, tail_hbm, sem2).wait()

    @pl.when(jnp.logical_and(wid >= 4, wid < _NW - 1))
    def _():
        pltpu.make_async_copy(buf0, out_dst(6), sem0).wait()
        pltpu.make_async_copy(buf1, out_dst(7), sem1).wait()


def kernel(Z, z_to_index):
    main, tail = _onehot_sc(Z, z_to_index)
    out = main.T
    upd = tail.T[:_TAIL_USED]
    return lax.dynamic_update_slice(out, upd, (_TAIL_BASE, 0))

# --- scband reference (transcript-rebuilt; emitter-appended) ---
"""Pipeline reference for scband-zto-one-hot-45191645889081 (READ-ONLY COPY).

The authoritative reference and input builder live on the scoring server;
editing this copy changes nothing except your own understanding.
"""

import jax, jax.numpy as jnp
import numpy as np

MAX_Z = 119
ELEMENTS = list(range(100))
NUM_CLASSES = len(ELEMENTS)


def _build_z_to_index():
    t = np.full((MAX_Z + 1,), -1, dtype=np.int32)
    for i, z in enumerate(ELEMENTS):
        t[z] = i
    return jnp.asarray(t)


def setup_inputs(seed: int = 0) -> dict:
    key = jax.random.key(seed)
    Z = jax.random.randint(key, (100000,), 0, 100, dtype=jnp.int32)
    z_to_index = _build_z_to_index()
    return {"Z": Z, "z_to_index": z_to_index}


def reference(Z, z_to_index):
    # gather: map atomic numbers -> class indices (SparseCore gather)
    indices = jnp.take(z_to_index, Z, axis=0)
    # one-hot expansion (torch.nn.functional.one_hot equivalent)
    out = jax.nn.one_hot(indices, NUM_CLASSES, dtype=jnp.float32)
    return out

if __name__ == "__main__":
    import jax
    _d = setup_inputs()
    print(jax.jit(kernel)(*tuple(_d.values())))

</pallas_src>

<mosaic_0001>
#map = affine_map<(d0, d1) -> (0)>
#map1 = affine_map<(d0, d1) -> (0, 0)>
module attributes {stable_mosaic.version = 14 : i64} {
  func.func @_onehot_sc(%arg0: i32, %arg1: i32, %arg2: memref<100000xi32, #tpu.memory_space<hbm>>, %arg3: memref<120xi32, #tpu.memory_space<hbm>>, %arg4: memref<100x100000xf32, #tpu.memory_space<hbm>>, %arg5: memref<100x256xf32, #tpu.memory_space<hbm>>, %arg6: memref<3072xi32, #tpu.memory_space<vmem>>, %arg7: memref<384xi32, #tpu.memory_space<vmem>>, %arg8: memref<160xi32, #tpu.memory_space<vmem>>, %arg9: memref<120xi32, #tpu.memory_space<vmem>>, %arg10: memref<100x384xf32, #tpu.memory_space<vmem>>, %arg11: memref<100x384xf32, #tpu.memory_space<vmem>>, %arg12: memref<100x256xf32, #tpu.memory_space<vmem>>, %arg13: memref<384xi32, #tpu.memory_space<vmem>>, %arg14: memref<384xi32, #tpu.memory_space<vmem>>, %arg15: memref<!tpu.dma_semaphore, #tpu.memory_space<semaphore_mem>>, %arg16: memref<!tpu.dma_semaphore, #tpu.memory_space<semaphore_mem>>, %arg17: memref<!tpu.dma_semaphore, #tpu.memory_space<semaphore_mem>>) attributes {dimension_semantics = [#tpu.dimension_semantics<core_parallel>, #tpu.dimension_semantics<subcore_parallel>], iteration_bounds = array<i64: 2, 16>, scalar_prefetch = 0 : i64, scratch_operands = 12 : i64, tpu.core_type = #tpu.core_type<sc_vector_subcore>, window_params = [{transform_indices = #map}, {transform_indices = #map}, {transform_indices = #map1}, {transform_indices = #map1}]} {
    %mul3A = arith.constant 2 : i32
    %mul3A_0 = arith.muli %arg1, %mul3A : i32
    %add3A = arith.addi %mul3A_0, %arg0 : i32
    %min3A = arith.constant 4 : i32
    %min3A_1 = arith.minsi %add3A, %min3A : i32
    %mul3A_2 = arith.constant 3456 : i32
    %mul3A_3 = arith.muli %min3A_1, %mul3A_2 : i32
    %sub3A = arith.constant 4 : i32
    %sub3A_4 = arith.subi %add3A, %sub3A : i32
    %max3A = arith.constant 0 : i32
    %max3A_5 = arith.maxsi %sub3A_4, %max3A : i32
    %mul3A_6 = arith.constant 3072 : i32
    %mul3A_7 = arith.muli %max3A_5, %mul3A_6 : i32
    %add3A_8 = arith.addi %mul3A_3, %mul3A_7 : i32
    "tpu.region"() ({
      %run_scoped3A = tpu.sem_alloc : memref<!tpu.dma_semaphore, #tpu.memory_space<semaphore_mem>>
      tpu.enqueue_dma source(%arg3 : memref<120xi32, #tpu.memory_space<hbm>>) target(%arg9 : memref<120xi32, #tpu.memory_space<vmem>>) target_semaphore(%run_scoped3A : memref<!tpu.dma_semaphore, #tpu.memory_space<semaphore_mem>>)
      tpu.wait_dma2 semaphore(%run_scoped3A : memref<!tpu.dma_semaphore, #tpu.memory_space<semaphore_mem>>) src(%arg3 : memref<120xi32, #tpu.memory_space<hbm>>) dst(%arg9 : memref<120xi32, #tpu.memory_space<vmem>>)
      tpu.yield
    }) : () -> ()
    "tpu.region"() ({
      %run_scoped3A = tpu.sem_alloc : memref<!tpu.dma_semaphore, #tpu.memory_space<semaphore_mem>>
      %dma_start3A_79 = tpu.memref_slice %arg2[%add3A_8] : memref<100000xi32, #tpu.memory_space<hbm>> -> memref<3072xi32, #tpu.memory_space<hbm>>
      %dma_start3A_80 = tpu.memref_slice %arg2[%add3A_8] : memref<100000xi32, #tpu.memory_space<hbm>> -> memref<3072xi32, #tpu.memory_space<hbm>>
      tpu.enqueue_dma source(%dma_start3A_80 : memref<3072xi32, #tpu.memory_space<hbm>>) target(%arg6 : memref<3072xi32, #tpu.memory_space<vmem>>) target_semaphore(%run_scoped3A : memref<!tpu.dma_semaphore, #tpu.memory_space<semaphore_mem>>)
      %dma_wait3A = tpu.memref_slice %arg2[%add3A_8] : memref<100000xi32, #tpu.memory_space<hbm>> -> memref<3072xi32, #tpu.memory_space<hbm>>
      %dma_wait3A_81 = tpu.memref_slice %arg2[%add3A_8] : memref<100000xi32, #tpu.memory_space<hbm>> -> memref<3072xi32, #tpu.memory_space<hbm>>
      tpu.wait_dma2 semaphore(%run_scoped3A : memref<!tpu.dma_semaphore, #tpu.memory_space<semaphore_mem>>) src(%dma_wait3A_81 : memref<3072xi32, #tpu.memory_space<hbm>>) dst(%arg6 : memref<3072xi32, #tpu.memory_space<vmem>>)
      tpu.yield
    }) : () -> ()
    %lt3A = arith.constant 4 : i32
    %lt3A_9 = arith.cmpi slt, %add3A, %lt3A : i32
    %convert_element_type3A = arith.extui %lt3A_9 : i1 to i32
    %cond3A = arith.constant 0 : i32
    %cond3A_10 = arith.cmpi ne, %convert_element_type3A, %cond3A : i32
    scf.if %cond3A_10 {
      %add3A_79 = arith.constant 3072 : i32
      %add3A_80 = arith.addi %add3A_8, %add3A_79 : i32
      "tpu.region"() ({
        %run_scoped3A = tpu.sem_alloc : memref<!tpu.dma_semaphore, #tpu.memory_space<semaphore_mem>>
        %dma_start3A_81 = tpu.memref_slice %arg2[%add3A_80] : memref<100000xi32, #tpu.memory_space<hbm>> -> memref<384xi32, #tpu.memory_space<hbm>>
        %dma_start3A_82 = tpu.memref_slice %arg2[%add3A_80] : memref<100000xi32, #tpu.memory_space<hbm>> -> memref<384xi32, #tpu.memory_space<hbm>>
        tpu.enqueue_dma source(%dma_start3A_82 : memref<384xi32, #tpu.memory_space<hbm>>) target(%arg7 : memref<384xi32, #tpu.memory_space<vmem>>) target_semaphore(%run_scoped3A : memref<!tpu.dma_semaphore, #tpu.memory_space<semaphore_mem>>)
        %dma_wait3A = tpu.memref_slice %arg2[%add3A_80] : memref<100000xi32, #tpu.memory_space<hbm>> -> memref<384xi32, #tpu.memory_space<hbm>>
        %dma_wait3A_83 = tpu.memref_slice %arg2[%add3A_80] : memref<100000xi32, #tpu.memory_space<hbm>> -> memref<384xi32, #tpu.memory_space<hbm>>
        tpu.wait_dma2 semaphore(%run_scoped3A : memref<!tpu.dma_semaphore, #tpu.memory_space<semaphore_mem>>) src(%dma_wait3A_83 : memref<384xi32, #tpu.memory_space<hbm>>) dst(%arg7 : memref<384xi32, #tpu.memory_space<vmem>>)
        tpu.yield
      }) : () -> ()
    } else {
    }
    %eq3A = arith.constant 31 : i32
    %eq3A_11 = arith.cmpi eq, %add3A, %eq3A : i32
    %convert_element_type3A_12 = arith.extui %eq3A_11 : i1 to i32
    %cond3A_13 = arith.constant 0 : i32
    %cond3A_14 = arith.cmpi ne, %convert_element_type3A_12, %cond3A_13 : i32
    scf.if %cond3A_14 {
      "tpu.region"() ({
        %run_scoped3A = tpu.sem_alloc : memref<!tpu.dma_semaphore, #tpu.memory_space<semaphore_mem>>
        %dma_start3A_79 = arith.constant 99840 : i32
        %dma_start3A_80 = tpu.memref_slice %arg2[%dma_start3A_79] : memref<100000xi32, #tpu.memory_space<hbm>> -> memref<160xi32, #tpu.memory_space<hbm>>
        %dma_start3A_81 = arith.constant 99840 : i32
        %dma_start3A_82 = tpu.memref_slice %arg2[%dma_start3A_81] : memref<100000xi32, #tpu.memory_space<hbm>> -> memref<160xi32, #tpu.memory_space<hbm>>
        tpu.enqueue_dma source(%dma_start3A_82 : memref<160xi32, #tpu.memory_space<hbm>>) target(%arg8 : memref<160xi32, #tpu.memory_space<vmem>>) target_semaphore(%run_scoped3A : memref<!tpu.dma_semaphore, #tpu.memory_space<semaphore_mem>>)
        %dma_wait3A = arith.constant 99840 : i32
        %dma_wait3A_83 = tpu.memref_slice %arg2[%dma_wait3A] : memref<100000xi32, #tpu.memory_space<hbm>> -> memref<160xi32, #tpu.memory_space<hbm>>
        %dma_wait3A_84 = arith.constant 99840 : i32
        %dma_wait3A_85 = tpu.memref_slice %arg2[%dma_wait3A_84] : memref<100000xi32, #tpu.memory_space<hbm>> -> memref<160xi32, #tpu.memory_space<hbm>>
        tpu.wait_dma2 semaphore(%run_scoped3A : memref<!tpu.dma_semaphore, #tpu.memory_space<semaphore_mem>>) src(%dma_wait3A_85 : memref<160xi32, #tpu.memory_space<hbm>>) dst(%arg8 : memref<160xi32, #tpu.memory_space<vmem>>)
        tpu.yield
      }) : () -> ()
    } else {
    }
    %iota3A = tpu.iota {dimensions = array<i32: 0>} : vector<16xi32>
    %broadcast_in_dim3A = arith.constant 1.000000e+00 : f32
    %broadcast_in_dim3A_15 = vector.broadcast %broadcast_in_dim3A : f32 to vector<16xf32>
    %broadcast_in_dim3A_16 = arith.constant 0.000000e+00 : f32
    %broadcast_in_dim3A_17 = vector.broadcast %broadcast_in_dim3A_16 : f32 to vector<16xf32>
    %scan3A = arith.constant 0 : i32
    %scan3A_18 = arith.constant 0 : i32
    %scan3A_19 = arith.constant 100 : i32
    %scan3A_20 = arith.addi %scan3A_18, %scan3A_19 : i32
    %scan3A_21 = arith.constant 1 : i32
    %scan3A_22 = scf.for %scan3A_79 = %scan3A_18 to %scan3A_20 step %scan3A_21 iter_args(%scan3A_80 = %scan3A) -> (i32)  : i32 {
      %swap3A = arith.index_cast %scan3A_79 : i32 to index
      %swap3A_81 = arith.constant 0 : index
      %swap3A_82 = tpu.vector_load %arg10[%swap3A, %swap3A_81] {strides = array<i32>} : memref<100x384xf32, #tpu.memory_space<vmem>>, vector<16xf32>,
      tpu.vector_store %arg10[%swap3A, %swap3A_81], %broadcast_in_dim3A_17 {strides = array<i32>} : memref<100x384xf32, #tpu.memory_space<vmem>>, vector<16xf32>,
      %swap3A_83 = arith.index_cast %scan3A_79 : i32 to index
      %swap3A_84 = arith.constant 16 : index
      %swap3A_85 = tpu.vector_load %arg10[%swap3A_83, %swap3A_84] {strides = array<i32>} : memref<100x384xf32, #tpu.memory_space<vmem>>, vector<16xf32>,
      tpu.vector_store %arg10[%swap3A_83, %swap3A_84], %broadcast_in_dim3A_17 {strides = array<i32>} : memref<100x384xf32, #tpu.memory_space<vmem>>, vector<16xf32>,
      %swap3A_86 = arith.index_cast %scan3A_79 : i32 to index
      %swap3A_87 = arith.constant 32 : index
      %swap3A_88 = tpu.vector_load %arg10[%swap3A_86, %swap3A_87] {strides = array<i32>} : memref<100x384xf32, #tpu.memory_space<vmem>>, vector<16xf32>,
      tpu.vector_store %arg10[%swap3A_86, %swap3A_87], %broadcast_in_dim3A_17 {strides = array<i32>} : memref<100x384xf32, #tpu.memory_space<vmem>>, vector<16xf32>,
      %swap3A_89 = arith.index_cast %scan3A_79 : i32 to index
      %swap3A_90 = arith.constant 48 : index
      %swap3A_91 = tpu.vector_load %arg10[%swap3A_89, %swap3A_90] {strides = array<i32>} : memref<100x384xf32, #tpu.memory_space<vmem>>, vector<16xf32>,
      tpu.vector_store %arg10[%swap3A_89, %swap3A_90], %broadcast_in_dim3A_17 {strides = array<i32>} : memref<100x384xf32, #tpu.memory_space<vmem>>, vector<16xf32>,
      %swap3A_92 = arith.index_cast %scan3A_79 : i32 to index
      %swap3A_93 = arith.constant 64 : index
      %swap3A_94 = tpu.vector_load %arg10[%swap3A_92, %swap3A_93] {strides = array<i32>} : memref<100x384xf32, #tpu.memory_space<vmem>>, vector<16xf32>,
      tpu.vector_store %arg10[%swap3A_92, %swap3A_93], %broadcast_in_dim3A_17 {strides = array<i32>} : memref<100x384xf32, #tpu.memory_space<vmem>>, vector<16xf32>,
      %swap3A_95 = arith.index_cast %scan3A_79 : i32 to index
      %swap3A_96 = arith.constant 80 : index
      %swap3A_97 = tpu.vector_load %arg10[%swap3A_95, %swap3A_96] {strides = array<i32>} : memref<100x384xf32, #tpu.memory_space<vmem>>, vector<16xf32>,
      tpu.vector_store %arg10[%swap3A_95, %swap3A_96], %broadcast_in_dim3A_17 {strides = array<i32>} : memref<100x384xf32, #tpu.memory_space<vmem>>, vector<16xf32>,
      %swap3A_98 = arith.index_cast %scan3A_79 : i32 to index
      %swap3A_99 = arith.constant 96 : index
      %swap3A_100 = tpu.vector_load %arg10[%swap3A_98, %swap3A_99] {strides = array<i32>} : memref<100x384xf32, #tpu.memory_space<vmem>>, vector<16xf32>,
      tpu.vector_store %arg10[%swap3A_98, %swap3A_99], %broadcast_in_dim3A_17 {strides = array<i32>} : memref<100x384xf32, #tpu.memory_space<vmem>>, vector<16xf32>,
      %swap3A_101 = arith.index_cast %scan3A_79 : i32 to index
      %swap3A_102 = arith.constant 112 : index
      %swap3A_103 = tpu.vector_load %arg10[%swap3A_101, %swap3A_102] {strides = array<i32>} : memref<100x384xf32, #tpu.memory_space<vmem>>, vector<16xf32>,
      tpu.vector_store %arg10[%swap3A_101, %swap3A_102], %broadcast_in_dim3A_17 {strides = array<i32>} : memref<100x384xf32, #tpu.memory_space<vmem>>, vector<16xf32>,
      %swap3A_104 = arith.index_cast %scan3A_79 : i32 to index
      %swap3A_105 = arith.constant 128 : index
      %swap3A_106 = tpu.vector_load %arg10[%swap3A_104, %swap3A_105] {strides = array<i32>} : memref<100x384xf32, #tpu.memory_space<vmem>>, vector<16xf32>,
      tpu.vector_store %arg10[%swap3A_104, %swap3A_105], %broadcast_in_dim3A_17 {strides = array<i32>} : memref<100x384xf32, #tpu.memory_space<vmem>>, vector<16xf32>,
      %swap3A_107 = arith.index_cast %scan3A_79 : i32 to index
      %swap3A_108 = arith.constant 144 : index
      %swap3A_109 = tpu.vector_load %arg10[%swap3A_107, %swap3A_108] {strides = array<i32>} : memref<100x384xf32, #tpu.memory_space<vmem>>, vector<16xf32>,
      tpu.vector_store %arg10[%swap3A_107, %swap3A_108], %broadcast_in_dim3A_17 {strides = array<i32>} : memref<100x384xf32, #tpu.memory_space<vmem>>, vector<16xf32>,
      %swap3A_110 = arith.index_cast %scan3A_79 : i32 to index
      %swap3A_111 = arith.constant 160 : index
      %swap3A_112 = tpu.vector_load %arg10[%swap3A_110, %swap3A_111] {strides = array<i32>} : memref<100x384xf32, #tpu.memory_space<vmem>>, vector<16xf32>,
      tpu.vector_store %arg10[%swap3A_110, %swap3A_111], %broadcast_in_dim3A_17 {strides = array<i32>} : memref<100x384xf32, #tpu.memory_space<vmem>>, vector<16xf32>,
      %swap3A_113 = arith.index_cast %scan3A_79 : i32 to index
      %swap3A_114 = arith.constant 176 : index
      %swap3A_115 = tpu.vector_load %arg10[%swap3A_113, %swap3A_114] {strides = array<i32>} : memref<100x384xf32, #tpu.memory_space<vmem>>, vector<16xf32>,
      tpu.vector_store %arg10[%swap3A_113, %swap3A_114], %broadcast_in_dim3A_17 {strides = array<i32>} : memref<100x384xf32, #tpu.memory_space<vmem>>, vector<16xf32>,
      %swap3A_116 = arith.index_cast %scan3A_79 : i32 to index
      %swap3A_117 = arith.constant 192 : index
      %swap3A_118 = tpu.vector_load %arg10[%swap3A_116, %swap3A_117] {strides = array<i32>} : memref<100x384xf32, #tpu.memory_space<vmem>>, vector<16xf32>,
      tpu.vector_store %arg10[%swap3A_116, %swap3A_117], %broadcast_in_dim3A_17 {strides = array<i32>} : memref<100x384xf32, #tpu.memory_space<vmem>>, vector<16xf32>,
      %swap3A_119 = arith.index_cast %scan3A_79 : i32 to index
      %swap3A_120 = arith.constant 208 : index
      %swap3A_121 = tpu.vector_load %arg10[%swap3A_119, %swap3A_120] {strides = array<i32>} : memref<100x384xf32, #tpu.memory_space<vmem>>, vector<16xf32>,
      tpu.vector_store %arg10[%swap3A_119, %swap3A_120], %broadcast_in_dim3A_17 {strides = array<i32>} : memref<100x384xf32, #tpu.memory_space<vmem>>, vector<16xf32>,
      %swap3A_122 = arith.index_cast %scan3A_79 : i32 to index
      %swap3A_123 = arith.constant 224 : index
      %swap3A_124 = tpu.vector_load %arg10[%swap3A_122, %swap3A_123] {strides = array<i32>} : memref<100x384xf32, #tpu.memory_space<vmem>>, vector<16xf32>,
      tpu.vector_store %arg10[%swap3A_122, %swap3A_123], %broadcast_in_dim3A_17 {strides = array<i32>} : memref<100x384xf32, #tpu.memory_space<vmem>>, vector<16xf32>,
      %swap3A_125 = arith.index_cast %scan3A_79 : i32 to index
      %swap3A_126 = arith.constant 240 : index
      %swap3A_127 = tpu.vector_load %arg10[%swap3A_125, %swap3A_126] {strides = array<i32>} : memref<100x384xf32, #tpu.memory_space<vmem>>, vector<16xf32>,
      tpu.vector_store %arg10[%swap3A_125, %swap3A_126], %broadcast_in_dim3A_17 {strides = array<i32>} : memref<100x384xf32, #tpu.memory_space<vmem>>, vector<16xf32>,
      %swap3A_128 = arith.index_cast %scan3A_79 : i32 to index
      %swap3A_129 = arith.constant 256 : index
      %swap3A_130 = tpu.vector_load %arg10[%swap3A_128, %swap3A_129] {strides = array<i32>} : memref<100x384xf32, #tpu.memory_space<vmem>>, vector<16xf32>,
      tpu.vector_store %arg10[%swap3A_128, %swap3A_129], %broadcast_in_dim3A_17 {strides = array<i32>} : memref<100x384xf32, #tpu.memory_space<vmem>>, vector<16xf32>,
      %swap3A_131 = arith.index_cast %scan3A_79 : i32 to index
      %swap3A_132 = arith.constant 272 : index
      %swap3A_133 = tpu.vector_load %arg10[%swap3A_131, %swap3A_132] {strides = array<i32>} : memref<100x384xf32, #tpu.memory_space<vmem>>, vector<16xf32>,
      tpu.vector_store %arg10[%swap3A_131, %swap3A_132], %broadcast_in_dim3A_17 {strides = array<i32>} : memref<100x384xf32, #tpu.memory_space<vmem>>, vector<16xf32>,
      %swap3A_134 = arith.index_cast %scan3A_79 : i32 to index
      %swap3A_135 = arith.constant 288 : index
      %swap3A_136 = tpu.vector_load %arg10[%swap3A_134, %swap3A_135] {strides = array<i32>} : memref<100x384xf32, #tpu.memory_space<vmem>>, vector<16xf32>,
      tpu.vector_store %arg10[%swap3A_134, %swap3A_135], %broadcast_in_dim3A_17 {strides = array<i32>} : memref<100x384xf32, #tpu.memory_space<vmem>>, vector<16xf32>,
      %swap3A_137 = arith.index_cast %scan3A_79 : i32 to index
      %swap3A_138 = arith.constant 304 : index
      %swap3A_139 = tpu.vector_load %arg10[%swap3A_137, %swap3A_138] {strides = array<i32>} : memref<100x384xf32, #tpu.memory_space<vmem>>, vector<16xf32>,
      tpu.vector_store %arg10[%swap3A_137, %swap3A_138], %broadcast_in_dim3A_17 {strides = array<i32>} : memref<100x384xf32, #tpu.memory_space<vmem>>, vector<16xf32>,
      %swap3A_140 = arith.index_cast %scan3A_79 : i32 to index
      %swap3A_141 = arith.constant 320 : index
      %swap3A_142 = tpu.vector_load %arg10[%swap3A_140, %swap3A_141] {strides = array<i32>} : memref<100x384xf32, #tpu.memory_space<vmem>>, vector<16xf32>,
      tpu.vector_store %arg10[%swap3A_140, %swap3A_141], %broadcast_in_dim3A_17 {strides = array<i32>} : memref<100x384xf32, #tpu.memory_space<vmem>>, vector<16xf32>,
      %swap3A_143 = arith.index_cast %scan3A_79 : i32 to index
      %swap3A_144 = arith.constant 336 : index
      %swap3A_145 = tpu.vector_load %arg10[%swap3A_143, %swap3A_144] {strides = array<i32>} : memref<100x384xf32, #tpu.memory_space<vmem>>, vector<16xf32>,
      tpu.vector_store %arg10[%swap3A_143, %swap3A_144], %broadcast_in_dim3A_17 {strides = array<i32>} : memref<100x384xf32, #tpu.memory_space<vmem>>, vector<16xf32>,
      %swap3A_146 = arith.index_cast %scan3A_79 : i32 to index
      %swap3A_147 = arith.constant 352 : index
      %swap3A_148 = tpu.vector_load %arg10[%swap3A_146, %swap3A_147] {strides = array<i32>} : memref<100x384xf32, #tpu.memory_space<vmem>>, vector<16xf32>,
      tpu.vector_store %arg10[%swap3A_146, %swap3A_147], %broadcast_in_dim3A_17 {strides = array<i32>} : memref<100x384xf32, #tpu.memory_space<vmem>>, vector<16xf32>,
      %swap3A_149 = arith.index_cast %scan3A_79 : i32 to index
      %swap3A_150 = arith.constant 368 : index
      %swap3A_151 = tpu.vector_load %arg10[%swap3A_149, %swap3A_150] {strides = array<i32>} : memref<100x384xf32, #tpu.memory_space<vmem>>, vector<16xf32>,
      tpu.vector_store %arg10[%swap3A_149, %swap3A_150], %broadcast_in_dim3A_17 {strides = array<i32>} : memref<100x384xf32, #tpu.memory_space<vmem>>, vector<16xf32>,
      %scan3A_152 = arith.constant 0 : i32
      scf.yield %scan3A_152 : i32
    }
    %scan3A_23 = arith.constant 100 : i32
    %scan3A_24 = arith.constant 0 : i32
    %scan3A_25 = arith.constant 0 : i32
    %scan3A_26 = arith.constant 24 : i32
    %scan3A_27 = arith.addi %scan3A_25, %scan3A_26 : i32
    %scan3A_28 = arith.constant 1 : i32
    %scan3A_29 = scf.for %scan3A_79 = %scan3A_25 to %scan3A_27 step %scan3A_28 iter_args(%scan3A_80 = %scan3A_24) -> (i32)  : i32 {
      %mul3A_81 = arith.constant 16 : i32
      %mul3A_82 = arith.muli %mul3A_81, %scan3A_79 : i32
      %add3A_83 = arith.constant 0 : i32
      %add3A_84 = arith.addi %add3A_83, %mul3A_82 : i32
      %get3A = arith.index_cast %add3A_84 : i32 to index
      %get3A_85 = tpu.vector_load %arg6[%get3A] {strides = array<i32>} : memref<3072xi32, #tpu.memory_space<vmem>>, vector<16xi32>,
      %gather3A = tpu.vector_load_idx %arg9[%get3A_85] : memref<120xi32, #tpu.memory_space<vmem>>[vector<16xi32>], vector<16xi32>,
      %mul3A_86 = arith.constant 16 : i32
      %mul3A_87 = arith.muli %mul3A_86, %scan3A_79 : i32
      %add3A_88 = vector.broadcast %mul3A_87 : i32 to vector<16xi32>
      %add3A_89 = arith.addi %iota3A, %add3A_88 : vector<16xi32>
      tpu.vector_store_idx %arg10[%gather3A, %add3A_89], %broadcast_in_dim3A_15 : memref<100x384xf32, #tpu.memory_space<vmem>>[vector<16xi32>, vector<16xi32>], vector<16xf32>,
      %mul3A_90 = arith.constant 16 : i32
      %mul3A_91 = arith.muli %mul3A_90, %scan3A_79 : i32
      %swap3A = arith.index_cast %mul3A_91 : i32 to index
      %swap3A_92 = tpu.vector_load %arg13[%swap3A] {strides = array<i32>} : memref<384xi32, #tpu.memory_space<vmem>>, vector<16xi32>,
      tpu.vector_store %arg13[%swap3A], %gather3A {strides = array<i32>} : memref<384xi32, #tpu.memory_space<vmem>>, vector<16xi32>,
      %scan3A_93 = arith.constant 0 : i32
      scf.yield %scan3A_93 : i32
    }
    %scan3A_30 = arith.constant 24 : i32
    %add3A_31 = arith.constant 0 : i32
    %add3A_32 = arith.addi %add3A_8, %add3A_31 : i32
    %dma_start3A = arith.constant 0 : i32
    %dma_start3A_33 = tpu.memref_slice %arg4[%dma_start3A, %add3A_32] : memref<100x100000xf32, #tpu.memory_space<hbm>> -> memref<100x384xf32, #tpu.memory_space<hbm>>
    %dma_start3A_34 = arith.constant 0 : i32
    %dma_start3A_35 = tpu.memref_slice %arg4[%dma_start3A_34, %add3A_32] : memref<100x100000xf32, #tpu.memory_space<hbm>> -> memref<100x384xf32, #tpu.memory_space<hbm>>
    tpu.enqueue_dma source(%arg10 : memref<100x384xf32, #tpu.memory_space<vmem>>) target(%dma_start3A_35 : memref<100x384xf32, #tpu.memory_space<hbm>>) target_semaphore(%arg15 : memref<!tpu.dma_semaphore, #tpu.memory_space<semaphore_mem>>)
    %scan3A_36 = arith.constant 0 : i32
    %scan3A_37 = arith.constant 0 : i32
    %scan3A_38 = arith.constant 100 : i32
    %scan3A_39 = arith.addi %scan3A_37, %scan3A_38 : i32
    %scan3A_40 = arith.constant 1 : i32
    %scan3A_41 = scf.for %scan3A_79 = %scan3A_37 to %scan3A_39 step %scan3A_40 iter_args(%scan3A_80 = %scan3A_36) -> (i32)  : i32 {
      %swap3A = arith.index_cast %scan3A_79 : i32 to index
      %swap3A_81 = arith.constant 0 : index
      %swap3A_82 = tpu.vector_load %arg11[%swap3A, %swap3A_81] {strides = array<i32>} : memref<100x384xf32, #tpu.memory_space<vmem>>, vector<16xf32>,
      tpu.vector_store %arg11[%swap3A, %swap3A_81], %broadcast_in_dim3A_17 {strides = array<i32>} : memref<100x384xf32, #tpu.memory_space<vmem>>, vector<16xf32>,
      %swap3A_83 = arith.index_cast %scan3A_79 : i32 to index
      %swap3A_84 = arith.constant 16 : index
      %swap3A_85 = tpu.vector_load %arg11[%swap3A_83, %swap3A_84] {strides = array<i32>} : memref<100x384xf32, #tpu.memory_space<vmem>>, vector<16xf32>,
      tpu.vector_store %arg11[%swap3A_83, %swap3A_84], %broadcast_in_dim3A_17 {strides = array<i32>} : memref<100x384xf32, #tpu.memory_space<vmem>>, vector<16xf32>,
      %swap3A_86 = arith.index_cast %scan3A_79 : i32 to index
      %swap3A_87 = arith.constant 32 : index
      %swap3A_88 = tpu.vector_load %arg11[%swap3A_86, %swap3A_87] {strides = array<i32>} : memref<100x384xf32, #tpu.memory_space<vmem>>, vector<16xf32>,
      tpu.vector_store %arg11[%swap3A_86, %swap3A_87], %broadcast_in_dim3A_17 {strides = array<i32>} : memref<100x384xf32, #tpu.memory_space<vmem>>, vector<16xf32>,
      %swap3A_89 = arith.index_cast %scan3A_79 : i32 to index
      %swap3A_90 = arith.constant 48 : index
      %swap3A_91 = tpu.vector_load %arg11[%swap3A_89, %swap3A_90] {strides = array<i32>} : memref<100x384xf32, #tpu.memory_space<vmem>>, vector<16xf32>,
      tpu.vector_store %arg11[%swap3A_89, %swap3A_90], %broadcast_in_dim3A_17 {strides = array<i32>} : memref<100x384xf32, #tpu.memory_space<vmem>>, vector<16xf32>,
      %swap3A_92 = arith.index_cast %scan3A_79 : i32 to index
      %swap3A_93 = arith.constant 64 : index
      %swap3A_94 = tpu.vector_load %arg11[%swap3A_92, %swap3A_93] {strides = array<i32>} : memref<100x384xf32, #tpu.memory_space<vmem>>, vector<16xf32>,
      tpu.vector_store %arg11[%swap3A_92, %swap3A_93], %broadcast_in_dim3A_17 {strides = array<i32>} : memref<100x384xf32, #tpu.memory_space<vmem>>, vector<16xf32>,
      %swap3A_95 = arith.index_cast %scan3A_79 : i32 to index
      %swap3A_96 = arith.constant 80 : index
      %swap3A_97 = tpu.vector_load %arg11[%swap3A_95, %swap3A_96] {strides = array<i32>} : memref<100x384xf32, #tpu.memory_space<vmem>>, vector<16xf32>,
      tpu.vector_store %arg11[%swap3A_95, %swap3A_96], %broadcast_in_dim3A_17 {strides = array<i32>} : memref<100x384xf32, #tpu.memory_space<vmem>>, vector<16xf32>,
      %swap3A_98 = arith.index_cast %scan3A_79 : i32 to index
      %swap3A_99 = arith.constant 96 : index
      %swap3A_100 = tpu.vector_load %arg11[%swap3A_98, %swap3A_99] {strides = array<i32>} : memref<100x384xf32, #tpu.memory_space<vmem>>, vector<16xf32>,
      tpu.vector_store %arg11[%swap3A_98, %swap3A_99], %broadcast_in_dim3A_17 {strides = array<i32>} : memref<100x384xf32, #tpu.memory_space<vmem>>, vector<16xf32>,
      %swap3A_101 = arith.index_cast %scan3A_79 : i32 to index
      %swap3A_102 = arith.constant 112 : index
      %swap3A_103 = tpu.vector_load %arg11[%swap3A_101, %swap3A_102] {strides = array<i32>} : memref<100x384xf32, #tpu.memory_space<vmem>>, vector<16xf32>,
      tpu.vector_store %arg11[%swap3A_101, %swap3A_102], %broadcast_in_dim3A_17 {strides = array<i32>} : memref<100x384xf32, #tpu.memory_space<vmem>>, vector<16xf32>,
      %swap3A_104 = arith.index_cast %scan3A_79 : i32 to index
      %swap3A_105 = arith.constant 128 : index
      %swap3A_106 = tpu.vector_load %arg11[%swap3A_104, %swap3A_105] {strides = array<i32>} : memref<100x384xf32, #tpu.memory_space<vmem>>, vector<16xf32>,
      tpu.vector_store %arg11[%swap3A_104, %swap3A_105], %broadcast_in_dim3A_17 {strides = array<i32>} : memref<100x384xf32, #tpu.memory_space<vmem>>, vector<16xf32>,
      %swap3A_107 = arith.index_cast %scan3A_79 : i32 to index
      %swap3A_108 = arith.constant 144 : index
      %swap3A_109 = tpu.vector_load %arg11[%swap3A_107, %swap3A_108] {strides = array<i32>} : memref<100x384xf32, #tpu.memory_space<vmem>>, vector<16xf32>,
      tpu.vector_store %arg11[%swap3A_107, %swap3A_108], %broadcast_in_dim3A_17 {strides = array<i32>} : memref<100x384xf32, #tpu.memory_space<vmem>>, vector<16xf32>,
      %swap3A_110 = arith.index_cast %scan3A_79 : i32 to index
      %swap3A_111 = arith.constant 160 : index
      %swap3A_112 = tpu.vector_load %arg11[%swap3A_110, %swap3A_111] {strides = array<i32>} : memref<100x384xf32, #tpu.memory_space<vmem>>, vector<16xf32>,
      tpu.vector_store %arg11[%swap3A_110, %swap3A_111], %broadcast_in_dim3A_17 {strides = array<i32>} : memref<100x384xf32, #tpu.memory_space<vmem>>, vector<16xf32>,
      %swap3A_113 = arith.index_cast %scan3A_79 : i32 to index
      %swap3A_114 = arith.constant 176 : index
      %swap3A_115 = tpu.vector_load %arg11[%swap3A_113, %swap3A_114] {strides = array<i32>} : memref<100x384xf32, #tpu.memory_space<vmem>>, vector<16xf32>,
      tpu.vector_store %arg11[%swap3A_113, %swap3A_114], %broadcast_in_dim3A_17 {strides = array<i32>} : memref<100x384xf32, #tpu.memory_space<vmem>>, vector<16xf32>,
      %swap3A_116 = arith.index_cast %scan3A_79 : i32 to index
      %swap3A_117 = arith.constant 192 : index
      %swap3A_118 = tpu.vector_load %arg11[%swap3A_116, %swap3A_117] {strides = array<i32>} : memref<100x384xf32, #tpu.memory_space<vmem>>, vector<16xf32>,
      tpu.vector_store %arg11[%swap3A_116, %swap3A_117], %broadcast_in_dim3A_17 {strides = array<i32>} : memref<100x384xf32, #tpu.memory_space<vmem>>, vector<16xf32>,
      %swap3A_119 = arith.index_cast %scan3A_79 : i32 to index
      %swap3A_120 = arith.constant 208 : index
      %swap3A_121 = tpu.vector_load %arg11[%swap3A_119, %swap3A_120] {strides = array<i32>} : memref<100x384xf32, #tpu.memory_space<vmem>>, vector<16xf32>,
      tpu.vector_store %arg11[%swap3A_119, %swap3A_120], %broadcast_in_dim3A_17 {strides = array<i32>} : memref<100x384xf32, #tpu.memory_space<vmem>>, vector<16xf32>,
      %swap3A_122 = arith.index_cast %scan3A_79 : i32 to index
      %swap3A_123 = arith.constant 224 : index
      %swap3A_124 = tpu.vector_load %arg11[%swap3A_122, %swap3A_123] {strides = array<i32>} : memref<100x384xf32, #tpu.memory_space<vmem>>, vector<16xf32>,
      tpu.vector_store %arg11[%swap3A_122, %swap3A_123], %broadcast_in_dim3A_17 {strides = array<i32>} : memref<100x384xf32, #tpu.memory_space<vmem>>, vector<16xf32>,
      %swap3A_125 = arith.index_cast %scan3A_79 : i32 to index
      %swap3A_126 = arith.constant 240 : index
      %swap3A_127 = tpu.vector_load %arg11[%swap3A_125, %swap3A_126] {strides = array<i32>} : memref<100x384xf32, #tpu.memory_space<vmem>>, vector<16xf32>,
      tpu.vector_store %arg11[%swap3A_125, %swap3A_126], %broadcast_in_dim3A_17 {strides = array<i32>} : memref<100x384xf32, #tpu.memory_space<vmem>>, vector<16xf32>,
      %swap3A_128 = arith.index_cast %scan3A_79 : i32 to index
      %swap3A_129 = arith.constant 256 : index
      %swap3A_130 = tpu.vector_load %arg11[%swap3A_128, %swap3A_129] {strides = array<i32>} : memref<100x384xf32, #tpu.memory_space<vmem>>, vector<16xf32>,
      tpu.vector_store %arg11[%swap3A_128, %swap3A_129], %broadcast_in_dim3A_17 {strides = array<i32>} : memref<100x384xf32, #tpu.memory_space<vmem>>, vector<16xf32>,
      %swap3A_131 = arith.index_cast %scan3A_79 : i32 to index
      %swap3A_132 = arith.constant 272 : index
      %swap3A_133 = tpu.vector_load %arg11[%swap3A_131, %swap3A_132] {strides = array<i32>} : memref<100x384xf32, #tpu.memory_space<vmem>>, vector<16xf32>,
      tpu.vector_store %arg11[%swap3A_131, %swap3A_132], %broadcast_in_dim3A_17 {strides = array<i32>} : memref<100x384xf32, #tpu.memory_space<vmem>>, vector<16xf32>,
      %swap3A_134 = arith.index_cast %scan3A_79 : i32 to index
      %swap3A_135 = arith.constant 288 : index
      %swap3A_136 = tpu.vector_load %arg11[%swap3A_134, %swap3A_135] {strides = array<i32>} : memref<100x384xf32, #tpu.memory_space<vmem>>, vector<16xf32>,
      tpu.vector_store %arg11[%swap3A_134, %swap3A_135], %broadcast_in_dim3A_17 {strides = array<i32>} : memref<100x384xf32, #tpu.memory_space<vmem>>, vector<16xf32>,
      %swap3A_137 = arith.index_cast %scan3A_79 : i32 to index
      %swap3A_138 = arith.constant 304 : index
      %swap3A_139 = tpu.vector_load %arg11[%swap3A_137, %swap3A_138] {strides = array<i32>} : memref<100x384xf32, #tpu.memory_space<vmem>>, vector<16xf32>,
      tpu.vector_store %arg11[%swap3A_137, %swap3A_138], %broadcast_in_dim3A_17 {strides = array<i32>} : memref<100x384xf32, #tpu.memory_space<vmem>>, vector<16xf32>,
      %swap3A_140 = arith.index_cast %scan3A_79 : i32 to index
      %swap3A_141 = arith.constant 320 : index
      %swap3A_142 = tpu.vector_load %arg11[%swap3A_140, %swap3A_141] {strides = array<i32>} : memref<100x384xf32, #tpu.memory_space<vmem>>, vector<16xf32>,
      tpu.vector_store %arg11[%swap3A_140, %swap3A_141], %broadcast_in_dim3A_17 {strides = array<i32>} : memref<100x384xf32, #tpu.memory_space<vmem>>, vector<16xf32>,
      %swap3A_143 = arith.index_cast %scan3A_79 : i32 to index
      %swap3A_144 = arith.constant 336 : index
      %swap3A_145 = tpu.vector_load %arg11[%swap3A_143, %swap3A_144] {strides = array<i32>} : memref<100x384xf32, #tpu.memory_space<vmem>>, vector<16xf32>,
      tpu.vector_store %arg11[%swap3A_143, %swap3A_144], %broadcast_in_dim3A_17 {strides = array<i32>} : memref<100x384xf32, #tpu.memory_space<vmem>>, vector<16xf32>,
      %swap3A_146 = arith.index_cast %scan3A_79 : i32 to index
      %swap3A_147 = arith.constant 352 : index
      %swap3A_148 = tpu.vector_load %arg11[%swap3A_146, %swap3A_147] {strides = array<i32>} : memref<100x384xf32, #tpu.memory_space<vmem>>, vector<16xf32>,
      tpu.vector_store %arg11[%swap3A_146, %swap3A_147], %broadcast_in_dim3A_17 {strides = array<i32>} : memref<100x384xf32, #tpu.memory_space<vmem>>, vector<16xf32>,
      %swap3A_149 = arith.index_cast %scan3A_79 : i32 to index
      %swap3A_150 = arith.constant 368 : index
      %swap3A_151 = tpu.vector_load %arg11[%swap3A_149, %swap3A_150] {strides = array<i32>} : memref<100x384xf32, #tpu.memory_space<vmem>>, vector<16xf32>,
      tpu.vector_store %arg11[%swap3A_149, %swap3A_150], %broadcast_in_dim3A_17 {strides = array<i32>} : memref<100x384xf32, #tpu.memory_space<vmem>>, vector<16xf32>,
      %scan3A_152 = arith.constant 0 : i32
      scf.yield %scan3A_152 : i32
    }
    %scan3A_42 = arith.constant 100 : i32
    %scan3A_43 = arith.constant 0 : i32
    %scan3A_44 = arith.constant 0 : i32
    %scan3A_45 = arith.constant 24 : i32
    %scan3A_46 = arith.addi %scan3A_44, %scan3A_45 : i32
    %scan3A_47 = arith.constant 1 : i32
    %scan3A_48 = scf.for %scan3A_79 = %scan3A_44 to %scan3A_46 step %scan3A_47 iter_args(%scan3A_80 = %scan3A_43) -> (i32)  : i32 {
      %mul3A_81 = arith.constant 16 : i32
      %mul3A_82 = arith.muli %mul3A_81, %scan3A_79 : i32
      %add3A_83 = arith.constant 384 : i32
      %add3A_84 = arith.addi %add3A_83, %mul3A_82 : i32
      %get3A = arith.index_cast %add3A_84 : i32 to index
      %get3A_85 = tpu.vector_load %arg6[%get3A] {strides = array<i32>} : memref<3072xi32, #tpu.memory_space<vmem>>, vector<16xi32>,
      %gather3A = tpu.vector_load_idx %arg9[%get3A_85] : memref<120xi32, #tpu.memory_space<vmem>>[vector<16xi32>], vector<16xi32>,
      %mul3A_86 = arith.constant 16 : i32
      %mul3A_87 = arith.muli %mul3A_86, %scan3A_79 : i32
      %add3A_88 = vector.broadcast %mul3A_87 : i32 to vector<16xi32>
      %add3A_89 = arith.addi %iota3A, %add3A_88 : vector<16xi32>
      tpu.vector_store_idx %arg11[%gather3A, %add3A_89], %broadcast_in_dim3A_15 : memref<100x384xf32, #tpu.memory_space<vmem>>[vector<16xi32>, vector<16xi32>], vector<16xf32>,
      %mul3A_90 = arith.constant 16 : i32
      %mul3A_91 = arith.muli %mul3A_90, %scan3A_79 : i32
      %swap3A = arith.index_cast %mul3A_91 : i32 to index
      %swap3A_92 = tpu.vector_load %arg14[%swap3A] {strides = array<i32>} : memref<384xi32, #tpu.memory_space<vmem>>, vector<16xi32>,
      tpu.vector_store %arg14[%swap3A], %gather3A {strides = array<i32>} : memref<384xi32, #tpu.memory_space<vmem>>, vector<16xi32>,
      %scan3A_93 = arith.constant 0 : i32
      scf.yield %scan3A_93 : i32
    }
    %scan3A_49 = arith.constant 24 : i32
    %add3A_50 = arith.constant 384 : i32
    %add3A_51 = arith.addi %add3A_8, %add3A_50 : i32
    %dma_start3A_52 = arith.constant 0 : i32
    %dma_start3A_53 = tpu.memref_slice %arg4[%dma_start3A_52, %add3A_51] : memref<100x100000xf32, #tpu.memory_space<hbm>> -> memref<100x384xf32, #tpu.memory_space<hbm>>
    %dma_start3A_54 = arith.constant 0 : i32
    %dma_start3A_55 = tpu.memref_slice %arg4[%dma_start3A_54, %add3A_51] : memref<100x100000xf32, #tpu.memory_space<hbm>> -> memref<100x384xf32, #tpu.memory_space<hbm>>
    tpu.enqueue_dma source(%arg11 : memref<100x384xf32, #tpu.memory_space<vmem>>) target(%dma_start3A_55 : memref<100x384xf32, #tpu.memory_space<hbm>>) target_semaphore(%arg16 : memref<!tpu.dma_semaphore, #tpu.memory_space<semaphore_mem>>)
    %scan3A_56 = arith.constant 0 : i32
    %scan3A_57 = arith.constant 1 : i32
    %scan3A_58 = arith.constant 3 : i32
    %scan3A_59 = arith.addi %scan3A_57, %scan3A_58 : i32
    %scan3A_60 = arith.constant 1 : i32
    %scan3A_61 = scf.for %scan3A_79 = %scan3A_57 to %scan3A_59 step %scan3A_60 iter_args(%scan3A_80 = %scan3A_56) -> (i32)  : i32 {
      %mul3A_81 = arith.constant 2 : i32
      %mul3A_82 = arith.muli %mul3A_81, %scan3A_79 : i32
      %sub3A_83 = arith.constant 2 : i32
      %sub3A_84 = arith.subi %mul3A_82, %sub3A_83 : i32
      %mul3A_85 = arith.constant 384 : i32
      %mul3A_86 = arith.muli %sub3A_84, %mul3A_85 : i32
      %add3A_87 = arith.addi %add3A_8, %mul3A_86 : i32
      %dma_wait3A = arith.constant 0 : i32
      %dma_wait3A_88 = tpu.memref_slice %arg4[%dma_wait3A, %add3A_87] : memref<100x100000xf32, #tpu.memory_space<hbm>> -> memref<100x384xf32, #tpu.memory_space<hbm>>
      %dma_wait3A_89 = arith.constant 0 : i32
      %dma_wait3A_90 = tpu.memref_slice %arg4[%dma_wait3A_89, %add3A_87] : memref<100x100000xf32, #tpu.memory_space<hbm>> -> memref<100x384xf32, #tpu.memory_space<hbm>>
      tpu.wait_dma2 semaphore(%arg15 : memref<!tpu.dma_semaphore, #tpu.memory_space<semaphore_mem>>) src(%arg10 : memref<100x384xf32, #tpu.memory_space<vmem>>) dst(%dma_wait3A_90 : memref<100x384xf32, #tpu.memory_space<hbm>>)
      %scan3A_91 = arith.constant 0 : i32
      %scan3A_92 = arith.constant 0 : i32
      %scan3A_93 = arith.constant 24 : i32
      %scan3A_94 = arith.addi %scan3A_92, %scan3A_93 : i32
      %scan3A_95 = arith.constant 1 : i32
      %scan3A_96 = scf.for %scan3A_149 = %scan3A_92 to %scan3A_94 step %scan3A_95 iter_args(%scan3A_150 = %scan3A_91) -> (i32)  : i32 {
        %mul3A_151 = arith.constant 16 : i32
        %mul3A_152 = arith.muli %mul3A_151, %scan3A_149 : i32
        %get3A = arith.index_cast %mul3A_152 : i32 to index
        %get3A_153 = tpu.vector_load %arg13[%get3A] {strides = array<i32>} : memref<384xi32, #tpu.memory_space<vmem>>, vector<16xi32>,
        %mul3A_154 = arith.constant 16 : i32
        %mul3A_155 = arith.muli %mul3A_154, %scan3A_149 : i32
        %add3A_156 = vector.broadcast %mul3A_155 : i32 to vector<16xi32>
        %add3A_157 = arith.addi %iota3A, %add3A_156 : vector<16xi32>
        tpu.vector_store_idx %arg10[%get3A_153, %add3A_157], %broadcast_in_dim3A_17 : memref<100x384xf32, #tpu.memory_space<vmem>>[vector<16xi32>, vector<16xi32>], vector<16xf32>,
        %scan3A_158 = arith.constant 0 : i32
        scf.yield %scan3A_158 : i32
      }
      %scan3A_97 = arith.constant 24 : i32
      %mul3A_98 = arith.constant 384 : i32
      %mul3A_99 = arith.muli %mul3A_82, %mul3A_98 : i32
      %scan3A_100 = arith.constant 0 : i32
      %scan3A_101 = arith.constant 0 : i32
      %scan3A_102 = arith.constant 24 : i32
      %scan3A_103 = arith.addi %scan3A_101, %scan3A_102 : i32
      %scan3A_104 = arith.constant 1 : i32
      %scan3A_105 = scf.for %scan3A_149 = %scan3A_101 to %scan3A_103 step %scan3A_104 iter_args(%scan3A_150 = %scan3A_100) -> (i32)  : i32 {
        %mul3A_151 = arith.constant 16 : i32
        %mul3A_152 = arith.muli %mul3A_151, %scan3A_149 : i32
        %add3A_153 = arith.addi %mul3A_99, %mul3A_152 : i32
        %get3A = arith.index_cast %add3A_153 : i32 to index
        %get3A_154 = tpu.vector_load %arg6[%get3A] {strides = array<i32>} : memref<3072xi32, #tpu.memory_space<vmem>>, vector<16xi32>,
        %gather3A = tpu.vector_load_idx %arg9[%get3A_154] : memref<120xi32, #tpu.memory_space<vmem>>[vector<16xi32>], vector<16xi32>,
        %mul3A_155 = arith.constant 16 : i32
        %mul3A_156 = arith.muli %mul3A_155, %scan3A_149 : i32
        %add3A_157 = vector.broadcast %mul3A_156 : i32 to vector<16xi32>
        %add3A_158 = arith.addi %iota3A, %add3A_157 : vector<16xi32>
        tpu.vector_store_idx %arg10[%gather3A, %add3A_158], %broadcast_in_dim3A_15 : memref<100x384xf32, #tpu.memory_space<vmem>>[vector<16xi32>, vector<16xi32>], vector<16xf32>,
        %mul3A_159 = arith.constant 16 : i32
        %mul3A_160 = arith.muli %mul3A_159, %scan3A_149 : i32
        %swap3A = arith.index_cast %mul3A_160 : i32 to index
        %swap3A_161 = tpu.vector_load %arg13[%swap3A] {strides = array<i32>} : memref<384xi32, #tpu.memory_space<vmem>>, vector<16xi32>,
        tpu.vector_store %arg13[%swap3A], %gather3A {strides = array<i32>} : memref<384xi32, #tpu.memory_space<vmem>>, vector<16xi32>,
        %scan3A_162 = arith.constant 0 : i32
        scf.yield %scan3A_162 : i32
      }
      %scan3A_106 = arith.constant 24 : i32
      %mul3A_107 = arith.constant 384 : i32
      %mul3A_108 = arith.muli %mul3A_82, %mul3A_107 : i32
      %add3A_109 = arith.addi %add3A_8, %mul3A_108 : i32
      %dma_start3A_110 = arith.constant 0 : i32
      %dma_start3A_111 = tpu.memref_slice %arg4[%dma_start3A_110, %add3A_109] : memref<100x100000xf32, #tpu.memory_space<hbm>> -> memref<100x384xf32, #tpu.memory_space<hbm>>
      %dma_start3A_112 = arith.constant 0 : i32
      %dma_start3A_113 = tpu.memref_slice %arg4[%dma_start3A_112, %add3A_109] : memref<100x100000xf32, #tpu.memory_space<hbm>> -> memref<100x384xf32, #tpu.memory_space<hbm>>
      tpu.enqueue_dma source(%arg10 : memref<100x384xf32, #tpu.memory_space<vmem>>) target(%dma_start3A_113 : memref<100x384xf32, #tpu.memory_space<hbm>>) target_semaphore(%arg15 : memref<!tpu.dma_semaphore, #tpu.memory_space<semaphore_mem>>)
      %add3A_114 = arith.constant 1 : i32
      %add3A_115 = arith.addi %mul3A_82, %add3A_114 : i32
      %sub3A_116 = arith.constant 2 : i32
      %sub3A_117 = arith.subi %add3A_115, %sub3A_116 : i32
      %mul3A_118 = arith.constant 384 : i32
      %mul3A_119 = arith.muli %sub3A_117, %mul3A_118 : i32
      %add3A_120 = arith.addi %add3A_8, %mul3A_119 : i32
      %dma_wait3A_121 = arith.constant 0 : i32
      %dma_wait3A_122 = tpu.memref_slice %arg4[%dma_wait3A_121, %add3A_120] : memref<100x100000xf32, #tpu.memory_space<hbm>> -> memref<100x384xf32, #tpu.memory_space<hbm>>
      %dma_wait3A_123 = arith.constant 0 : i32
      %dma_wait3A_124 = tpu.memref_slice %arg4[%dma_wait3A_123, %add3A_120] : memref<100x100000xf32, #tpu.memory_space<hbm>> -> memref<100x384xf32, #tpu.memory_space<hbm>>
      tpu.wait_dma2 semaphore(%arg16 : memref<!tpu.dma_semaphore, #tpu.memory_space<semaphore_mem>>) src(%arg11 : memref<100x384xf32, #tpu.memory_space<vmem>>) dst(%dma_wait3A_124 : memref<100x384xf32, #tpu.memory_space<hbm>>)
      %scan3A_125 = arith.constant 0 : i32
      %scan3A_126 = arith.constant 0 : i32
      %scan3A_127 = arith.constant 24 : i32
      %scan3A_128 = arith.addi %scan3A_126, %scan3A_127 : i32
      %scan3A_129 = arith.constant 1 : i32
      %scan3A_130 = scf.for %scan3A_149 = %scan3A_126 to %scan3A_128 step %scan3A_129 iter_args(%scan3A_150 = %scan3A_125) -> (i32)  : i32 {
        %mul3A_151 = arith.constant 16 : i32
        %mul3A_152 = arith.muli %mul3A_151, %scan3A_149 : i32
        %get3A = arith.index_cast %mul3A_152 : i32 to index
        %get3A_153 = tpu.vector_load %arg14[%get3A] {strides = array<i32>} : memref<384xi32, #tpu.memory_space<vmem>>, vector<16xi32>,
        %mul3A_154 = arith.constant 16 : i32
        %mul3A_155 = arith.muli %mul3A_154, %scan3A_149 : i32
        %add3A_156 = vector.broadcast %mul3A_155 : i32 to vector<16xi32>
        %add3A_157 = arith.addi %iota3A, %add3A_156 : vector<16xi32>
        tpu.vector_store_idx %arg11[%get3A_153, %add3A_157], %broadcast_in_dim3A_17 : memref<100x384xf32, #tpu.memory_space<vmem>>[vector<16xi32>, vector<16xi32>], vector<16xf32>,
        %scan3A_158 = arith.constant 0 : i32
        scf.yield %scan3A_158 : i32
      }
      %scan3A_131 = arith.constant 24 : i32
      %mul3A_132 = arith.constant 384 : i32
      %mul3A_133 = arith.muli %add3A_115, %mul3A_132 : i32
      %scan3A_134 = arith.constant 0 : i32
      %scan3A_135 = arith.constant 0 : i32
      %scan3A_136 = arith.constant 24 : i32
      %scan3A_137 = arith.addi %scan3A_135, %scan3A_136 : i32
      %scan3A_138 = arith.constant 1 : i32
      %scan3A_139 = scf.for %scan3A_149 = %scan3A_135 to %scan3A_137 step %scan3A_138 iter_args(%scan3A_150 = %scan3A_134) -> (i32)  : i32 {
        %mul3A_151 = arith.constant 16 : i32
        %mul3A_152 = arith.muli %mul3A_151, %scan3A_149 : i32
        %add3A_153 = arith.addi %mul3A_133, %mul3A_152 : i32
        %get3A = arith.index_cast %add3A_153 : i32 to index
        %get3A_154 = tpu.vector_load %arg6[%get3A] {strides = array<i32>} : memref<3072xi32, #tpu.memory_space<vmem>>, vector<16xi32>,
        %gather3A = tpu.vector_load_idx %arg9[%get3A_154] : memref<120xi32, #tpu.memory_space<vmem>>[vector<16xi32>], vector<16xi32>,
        %mul3A_155 = arith.constant 16 : i32
        %mul3A_156 = arith.muli %mul3A_155, %scan3A_149 : i32
        %add3A_157 = vector.broadcast %mul3A_156 : i32 to vector<16xi32>
        %add3A_158 = arith.addi %iota3A, %add3A_157 : vector<16xi32>
        tpu.vector_store_idx %arg11[%gather3A, %add3A_158], %broadcast_in_dim3A_15 : memref<100x384xf32, #tpu.memory_space<vmem>>[vector<16xi32>, vector<16xi32>], vector<16xf32>,
        %mul3A_159 = arith.constant 16 : i32
        %mul3A_160 = arith.muli %mul3A_159, %scan3A_149 : i32
        %swap3A = arith.index_cast %mul3A_160 : i32 to index
        %swap3A_161 = tpu.vector_load %arg14[%swap3A] {strides = array<i32>} : memref<384xi32, #tpu.memory_space<vmem>>, vector<16xi32>,
        tpu.vector_store %arg14[%swap3A], %gather3A {strides = array<i32>} : memref<384xi32, #tpu.memory_space<vmem>>, vector<16xi32>,
        %scan3A_162 = arith.constant 0 : i32
        scf.yield %scan3A_162 : i32
      }
      %scan3A_140 = arith.constant 24 : i32
      %mul3A_141 = arith.constant 384 : i32
      %mul3A_142 = arith.muli %add3A_115, %mul3A_141 : i32
      %add3A_143 = arith.addi %add3A_8, %mul3A_142 : i32
      %dma_start3A_144 = arith.constant 0 : i32
      %dma_start3A_145 = tpu.memref_slice %arg4[%dma_start3A_144, %add3A_143] : memref<100x100000xf32, #tpu.memory_space<hbm>> -> memref<100x384xf32, #tpu.memory_space<hbm>>
      %dma_start3A_146 = arith.constant 0 : i32
      %dma_start3A_147 = tpu.memref_slice %arg4[%dma_start3A_146, %add3A_143] : memref<100x100000xf32, #tpu.memory_space<hbm>> -> memref<100x384xf32, #tpu.memory_space<hbm>>
      tpu.enqueue_dma source(%arg11 : memref<100x384xf32, #tpu.memory_space<vmem>>) target(%dma_start3A_147 : memref<100x384xf32, #tpu.memory_space<hbm>>) target_semaphore(%arg16 : memref<!tpu.dma_semaphore, #tpu.memory_space<semaphore_mem>>)
      %scan3A_148 = arith.constant 0 : i32
      scf.yield %scan3A_148 : i32
    }
    %scan3A_62 = arith.constant 3 : i32
    %lt3A_63 = arith.constant 4 : i32
    %lt3A_64 = arith.cmpi slt, %add3A, %lt3A_63 : i32
    %convert_element_type3A_65 = arith.extui %lt3A_64 : i1 to i32
    %cond3A_66 = arith.constant 0 : i32
    %cond3A_67 = arith.cmpi ne, %convert_element_type3A_65, %cond3A_66 : i32
    scf.if %cond3A_67 {
      %add3A_79 = arith.constant 2304 : i32
      %add3A_80 = arith.addi %add3A_8, %add3A_79 : i32
      %dma_wait3A = arith.constant 0 : i32
      %dma_wait3A_81 = tpu.memref_slice %arg4[%dma_wait3A, %add3A_80] : memref<100x100000xf32, #tpu.memory_space<hbm>> -> memref<100x384xf32, #tpu.memory_space<hbm>>
      %dma_wait3A_82 = arith.constant 0 : i32
      %dma_wait3A_83 = tpu.memref_slice %arg4[%dma_wait3A_82, %add3A_80] : memref<100x100000xf32, #tpu.memory_space<hbm>> -> memref<100x384xf32, #tpu.memory_space<hbm>>
      tpu.wait_dma2 semaphore(%arg15 : memref<!tpu.dma_semaphore, #tpu.memory_space<semaphore_mem>>) src(%arg10 : memref<100x384xf32, #tpu.memory_space<vmem>>) dst(%dma_wait3A_83 : memref<100x384xf32, #tpu.memory_space<hbm>>)
      %scan3A_84 = arith.constant 0 : i32
      %scan3A_85 = arith.constant 0 : i32
      %scan3A_86 = arith.constant 24 : i32
      %scan3A_87 = arith.addi %scan3A_85, %scan3A_86 : i32
      %scan3A_88 = arith.constant 1 : i32
      %scan3A_89 = scf.for %scan3A_116 = %scan3A_85 to %scan3A_87 step %scan3A_88 iter_args(%scan3A_117 = %scan3A_84) -> (i32)  : i32 {
        %mul3A_118 = arith.constant 16 : i32
        %mul3A_119 = arith.muli %mul3A_118, %scan3A_116 : i32
        %get3A = arith.index_cast %mul3A_119 : i32 to index
        %get3A_120 = tpu.vector_load %arg13[%get3A] {strides = array<i32>} : memref<384xi32, #tpu.memory_space<vmem>>, vector<16xi32>,
        %mul3A_121 = arith.constant 16 : i32
        %mul3A_122 = arith.muli %mul3A_121, %scan3A_116 : i32
        %add3A_123 = vector.broadcast %mul3A_122 : i32 to vector<16xi32>
        %add3A_124 = arith.addi %iota3A, %add3A_123 : vector<16xi32>
        tpu.vector_store_idx %arg10[%get3A_120, %add3A_124], %broadcast_in_dim3A_17 : memref<100x384xf32, #tpu.memory_space<vmem>>[vector<16xi32>, vector<16xi32>], vector<16xf32>,
        %scan3A_125 = arith.constant 0 : i32
        scf.yield %scan3A_125 : i32
      }
      %scan3A_90 = arith.constant 24 : i32
      %scan3A_91 = arith.constant 0 : i32
      %scan3A_92 = arith.constant 0 : i32
      %scan3A_93 = arith.constant 24 : i32
      %scan3A_94 = arith.addi %scan3A_92, %scan3A_93 : i32
      %scan3A_95 = arith.constant 1 : i32
      %scan3A_96 = scf.for %scan3A_116 = %scan3A_92 to %scan3A_94 step %scan3A_95 iter_args(%scan3A_117 = %scan3A_91) -> (i32)  : i32 {
        %mul3A_118 = arith.constant 16 : i32
        %mul3A_119 = arith.muli %mul3A_118, %scan3A_116 : i32
        %add3A_120 = arith.constant 0 : i32
        %add3A_121 = arith.addi %add3A_120, %mul3A_119 : i32
        %get3A = arith.index_cast %add3A_121 : i32 to index
        %get3A_122 = tpu.vector_load %arg7[%get3A] {strides = array<i32>} : memref<384xi32, #tpu.memory_space<vmem>>, vector<16xi32>,
        %gather3A = tpu.vector_load_idx %arg9[%get3A_122] : memref<120xi32, #tpu.memory_space<vmem>>[vector<16xi32>], vector<16xi32>,
        %mul3A_123 = arith.constant 16 : i32
        %mul3A_124 = arith.muli %mul3A_123, %scan3A_116 : i32
        %add3A_125 = vector.broadcast %mul3A_124 : i32 to vector<16xi32>
        %add3A_126 = arith.addi %iota3A, %add3A_125 : vector<16xi32>
        tpu.vector_store_idx %arg10[%gather3A, %add3A_126], %broadcast_in_dim3A_15 : memref<100x384xf32, #tpu.memory_space<vmem>>[vector<16xi32>, vector<16xi32>], vector<16xf32>,
        %mul3A_127 = arith.constant 16 : i32
        %mul3A_128 = arith.muli %mul3A_127, %scan3A_116 : i32
        %swap3A = arith.index_cast %mul3A_128 : i32 to index
        %swap3A_129 = tpu.vector_load %arg13[%swap3A] {strides = array<i32>} : memref<384xi32, #tpu.memory_space<vmem>>, vector<16xi32>,
        tpu.vector_store %arg13[%swap3A], %gather3A {strides = array<i32>} : memref<384xi32, #tpu.memory_space<vmem>>, vector<16xi32>,
        %scan3A_130 = arith.constant 0 : i32
        scf.yield %scan3A_130 : i32
      }
      %scan3A_97 = arith.constant 24 : i32
      %add3A_98 = arith.constant 3072 : i32
      %add3A_99 = arith.addi %add3A_8, %add3A_98 : i32
      %dma_start3A_100 = arith.constant 0 : i32
      %dma_start3A_101 = tpu.memref_slice %arg4[%dma_start3A_100, %add3A_99] : memref<100x100000xf32, #tpu.memory_space<hbm>> -> memref<100x384xf32, #tpu.memory_space<hbm>>
      %dma_start3A_102 = arith.constant 0 : i32
      %dma_start3A_103 = tpu.memref_slice %arg4[%dma_start3A_102, %add3A_99] : memref<100x100000xf32, #tpu.memory_space<hbm>> -> memref<100x384xf32, #tpu.memory_space<hbm>>
      tpu.enqueue_dma source(%arg10 : memref<100x384xf32, #tpu.memory_space<vmem>>) target(%dma_start3A_103 : memref<100x384xf32, #tpu.memory_space<hbm>>) target_semaphore(%arg15 : memref<!tpu.dma_semaphore, #tpu.memory_space<semaphore_mem>>)
      %add3A_104 = arith.constant 2688 : i32
      %add3A_105 = arith.addi %add3A_8, %add3A_104 : i32
      %dma_wait3A_106 = arith.constant 0 : i32
      %dma_wait3A_107 = tpu.memref_slice %arg4[%dma_wait3A_106, %add3A_105] : memref<100x100000xf32, #tpu.memory_space<hbm>> -> memref<100x384xf32, #tpu.memory_space<hbm>>
      %dma_wait3A_108 = arith.constant 0 : i32
      %dma_wait3A_109 = tpu.memref_slice %arg4[%dma_wait3A_108, %add3A_105] : memref<100x100000xf32, #tpu.memory_space<hbm>> -> memref<100x384xf32, #tpu.memory_space<hbm>>
      tpu.wait_dma2 semaphore(%arg16 : memref<!tpu.dma_semaphore, #tpu.memory_space<semaphore_mem>>) src(%arg11 : memref<100x384xf32, #tpu.memory_space<vmem>>) dst(%dma_wait3A_109 : memref<100x384xf32, #tpu.memory_space<hbm>>)
      %add3A_110 = arith.constant 3072 : i32
      %add3A_111 = arith.addi %add3A_8, %add3A_110 : i32
      %dma_wait3A_112 = arith.constant 0 : i32
      %dma_wait3A_113 = tpu.memref_slice %arg4[%dma_wait3A_112, %add3A_111] : memref<100x100000xf32, #tpu.memory_space<hbm>> -> memref<100x384xf32, #tpu.memory_space<hbm>>
      %dma_wait3A_114 = arith.constant 0 : i32
      %dma_wait3A_115 = tpu.memref_slice %arg4[%dma_wait3A_114, %add3A_111] : memref<100x100000xf32, #tpu.memory_space<hbm>> -> memref<100x384xf32, #tpu.memory_space<hbm>>
      tpu.wait_dma2 semaphore(%arg15 : memref<!tpu.dma_semaphore, #tpu.memory_space<semaphore_mem>>) src(%arg10 : memref<100x384xf32, #tpu.memory_space<vmem>>) dst(%dma_wait3A_115 : memref<100x384xf32, #tpu.memory_space<hbm>>)
    } else {
    }
    %eq3A_68 = arith.constant 31 : i32
    %eq3A_69 = arith.cmpi eq, %add3A, %eq3A_68 : i32
    %convert_element_type3A_70 = arith.extui %eq3A_69 : i1 to i32
    %cond3A_71 = arith.constant 0 : i32
    %cond3A_72 = arith.cmpi ne, %convert_element_type3A_70, %cond3A_71 : i32
    scf.if %cond3A_72 {
      %scan3A_79 = arith.constant 0 : i32
      %scan3A_80 = arith.constant 0 : i32
      %scan3A_81 = arith.constant 100 : i32
      %scan3A_82 = arith.addi %scan3A_80, %scan3A_81 : i32
      %scan3A_83 = arith.constant 1 : i32
      %scan3A_84 = scf.for %scan3A_104 = %scan3A_80 to %scan3A_82 step %scan3A_83 iter_args(%scan3A_105 = %scan3A_79) -> (i32)  : i32 {
        %swap3A = arith.index_cast %scan3A_104 : i32 to index
        %swap3A_106 = arith.constant 0 : index
        %swap3A_107 = tpu.vector_load %arg12[%swap3A, %swap3A_106] {strides = array<i32>} : memref<100x256xf32, #tpu.memory_space<vmem>>, vector<16xf32>,
        tpu.vector_store %arg12[%swap3A, %swap3A_106], %broadcast_in_dim3A_17 {strides = array<i32>} : memref<100x256xf32, #tpu.memory_space<vmem>>, vector<16xf32>,
        %swap3A_108 = arith.index_cast %scan3A_104 : i32 to index
        %swap3A_109 = arith.constant 16 : index
        %swap3A_110 = tpu.vector_load %arg12[%swap3A_108, %swap3A_109] {strides = array<i32>} : memref<100x256xf32, #tpu.memory_space<vmem>>, vector<16xf32>,
        tpu.vector_store %arg12[%swap3A_108, %swap3A_109], %broadcast_in_dim3A_17 {strides = array<i32>} : memref<100x256xf32, #tpu.memory_space<vmem>>, vector<16xf32>,
        %swap3A_111 = arith.index_cast %scan3A_104 : i32 to index
        %swap3A_112 = arith.constant 32 : index
        %swap3A_113 = tpu.vector_load %arg12[%swap3A_111, %swap3A_112] {strides = array<i32>} : memref<100x256xf32, #tpu.memory_space<vmem>>, vector<16xf32>,
        tpu.vector_store %arg12[%swap3A_111, %swap3A_112], %broadcast_in_dim3A_17 {strides = array<i32>} : memref<100x256xf32, #tpu.memory_space<vmem>>, vector<16xf32>,
        %swap3A_114 = arith.index_cast %scan3A_104 : i32 to index
        %swap3A_115 = arith.constant 48 : index
        %swap3A_116 = tpu.vector_load %arg12[%swap3A_114, %swap3A_115] {strides = array<i32>} : memref<100x256xf32, #tpu.memory_space<vmem>>, vector<16xf32>,
        tpu.vector_store %arg12[%swap3A_114, %swap3A_115], %broadcast_in_dim3A_17 {strides = array<i32>} : memref<100x256xf32, #tpu.memory_space<vmem>>, vector<16xf32>,
        %swap3A_117 = arith.index_cast %scan3A_104 : i32 to index
        %swap3A_118 = arith.constant 64 : index
        %swap3A_119 = tpu.vector_load %arg12[%swap3A_117, %swap3A_118] {strides = array<i32>} : memref<100x256xf32, #tpu.memory_space<vmem>>, vector<16xf32>,
        tpu.vector_store %arg12[%swap3A_117, %swap3A_118], %broadcast_in_dim3A_17 {strides = array<i32>} : memref<100x256xf32, #tpu.memory_space<vmem>>, vector<16xf32>,
        %swap3A_120 = arith.index_cast %scan3A_104 : i32 to index
        %swap3A_121 = arith.constant 80 : index
        %swap3A_122 = tpu.vector_load %arg12[%swap3A_120, %swap3A_121] {strides = array<i32>} : memref<100x256xf32, #tpu.memory_space<vmem>>, vector<16xf32>,
        tpu.vector_store %arg12[%swap3A_120, %swap3A_121], %broadcast_in_dim3A_17 {strides = array<i32>} : memref<100x256xf32, #tpu.memory_space<vmem>>, vector<16xf32>,
        %swap3A_123 = arith.index_cast %scan3A_104 : i32 to index
        %swap3A_124 = arith.constant 96 : index
        %swap3A_125 = tpu.vector_load %arg12[%swap3A_123, %swap3A_124] {strides = array<i32>} : memref<100x256xf32, #tpu.memory_space<vmem>>, vector<16xf32>,
        tpu.vector_store %arg12[%swap3A_123, %swap3A_124], %broadcast_in_dim3A_17 {strides = array<i32>} : memref<100x256xf32, #tpu.memory_space<vmem>>, vector<16xf32>,
        %swap3A_126 = arith.index_cast %scan3A_104 : i32 to index
        %swap3A_127 = arith.constant 112 : index
        %swap3A_128 = tpu.vector_load %arg12[%swap3A_126, %swap3A_127] {strides = array<i32>} : memref<100x256xf32, #tpu.memory_space<vmem>>, vector<16xf32>,
        tpu.vector_store %arg12[%swap3A_126, %swap3A_127], %broadcast_in_dim3A_17 {strides = array<i32>} : memref<100x256xf32, #tpu.memory_space<vmem>>, vector<16xf32>,
        %swap3A_129 = arith.index_cast %scan3A_104 : i32 to index
        %swap3A_130 = arith.constant 128 : index
        %swap3A_131 = tpu.vector_load %arg12[%swap3A_129, %swap3A_130] {strides = array<i32>} : memref<100x256xf32, #tpu.memory_space<vmem>>, vector<16xf32>,
        tpu.vector_store %arg12[%swap3A_129, %swap3A_130], %broadcast_in_dim3A_17 {strides = array<i32>} : memref<100x256xf32, #tpu.memory_space<vmem>>, vector<16xf32>,
        %swap3A_132 = arith.index_cast %scan3A_104 : i32 to index
        %swap3A_133 = arith.constant 144 : index
        %swap3A_134 = tpu.vector_load %arg12[%swap3A_132, %swap3A_133] {strides = array<i32>} : memref<100x256xf32, #tpu.memory_space<vmem>>, vector<16xf32>,
        tpu.vector_store %arg12[%swap3A_132, %swap3A_133], %broadcast_in_dim3A_17 {strides = array<i32>} : memref<100x256xf32, #tpu.memory_space<vmem>>, vector<16xf32>,
        %swap3A_135 = arith.index_cast %scan3A_104 : i32 to index
        %swap3A_136 = arith.constant 160 : index
        %swap3A_137 = tpu.vector_load %arg12[%swap3A_135, %swap3A_136] {strides = array<i32>} : memref<100x256xf32, #tpu.memory_space<vmem>>, vector<16xf32>,
        tpu.vector_store %arg12[%swap3A_135, %swap3A_136], %broadcast_in_dim3A_17 {strides = array<i32>} : memref<100x256xf32, #tpu.memory_space<vmem>>, vector<16xf32>,
        %swap3A_138 = arith.index_cast %scan3A_104 : i32 to index
        %swap3A_139 = arith.constant 176 : index
        %swap3A_140 = tpu.vector_load %arg12[%swap3A_138, %swap3A_139] {strides = array<i32>} : memref<100x256xf32, #tpu.memory_space<vmem>>, vector<16xf32>,
        tpu.vector_store %arg12[%swap3A_138, %swap3A_139], %broadcast_in_dim3A_17 {strides = array<i32>} : memref<100x256xf32, #tpu.memory_space<vmem>>, vector<16xf32>,
        %swap3A_141 = arith.index_cast %scan3A_104 : i32 to index
        %swap3A_142 = arith.constant 192 : index
        %swap3A_143 = tpu.vector_load %arg12[%swap3A_141, %swap3A_142] {strides = array<i32>} : memref<100x256xf32, #tpu.memory_space<vmem>>, vector<16xf32>,
        tpu.vector_store %arg12[%swap3A_141, %swap3A_142], %broadcast_in_dim3A_17 {strides = array<i32>} : memref<100x256xf32, #tpu.memory_space<vmem>>, vector<16xf32>,
        %swap3A_144 = arith.index_cast %scan3A_104 : i32 to index
        %swap3A_145 = arith.constant 208 : index
        %swap3A_146 = tpu.vector_load %arg12[%swap3A_144, %swap3A_145] {strides = array<i32>} : memref<100x256xf32, #tpu.memory_space<vmem>>, vector<16xf32>,
        tpu.vector_store %arg12[%swap3A_144, %swap3A_145], %broadcast_in_dim3A_17 {strides = array<i32>} : memref<100x256xf32, #tpu.memory_space<vmem>>, vector<16xf32>,
        %swap3A_147 = arith.index_cast %scan3A_104 : i32 to index
        %swap3A_148 = arith.constant 224 : index
        %swap3A_149 = tpu.vector_load %arg12[%swap3A_147, %swap3A_148] {strides = array<i32>} : memref<100x256xf32, #tpu.memory_space<vmem>>, vector<16xf32>,
        tpu.vector_store %arg12[%swap3A_147, %swap3A_148], %broadcast_in_dim3A_17 {strides = array<i32>} : memref<100x256xf32, #tpu.memory_space<vmem>>, vector<16xf32>,
        %swap3A_150 = arith.index_cast %scan3A_104 : i32 to index
        %swap3A_151 = arith.constant 240 : index
        %swap3A_152 = tpu.vector_load %arg12[%swap3A_150, %swap3A_151] {strides = array<i32>} : memref<100x256xf32, #tpu.memory_space<vmem>>, vector<16xf32>,
        tpu.vector_store %arg12[%swap3A_150, %swap3A_151], %broadcast_in_dim3A_17 {strides = array<i32>} : memref<100x256xf32, #tpu.memory_space<vmem>>, vector<16xf32>,
        %scan3A_153 = arith.constant 0 : i32
        scf.yield %scan3A_153 : i32
      }
      %scan3A_85 = arith.constant 100 : i32
      %scan3A_86 = arith.constant 0 : i32
      %scan3A_87 = arith.constant 0 : i32
      %scan3A_88 = arith.constant 10 : i32
      %scan3A_89 = arith.addi %scan3A_87, %scan3A_88 : i32
      %scan3A_90 = arith.constant 1 : i32
      %scan3A_91 = scf.for %scan3A_104 = %scan3A_87 to %scan3A_89 step %scan3A_90 iter_args(%scan3A_105 = %scan3A_86) -> (i32)  : i32 {
        %mul3A_106 = arith.constant 16 : i32
        %mul3A_107 = arith.muli %mul3A_106, %scan3A_104 : i32
        %add3A_108 = arith.constant 0 : i32
        %add3A_109 = arith.addi %add3A_108, %mul3A_107 : i32
        %get3A = arith.index_cast %add3A_109 : i32 to index
        %get3A_110 = tpu.vector_load %arg8[%get3A] {strides = array<i32>} : memref<160xi32, #tpu.memory_space<vmem>>, vector<16xi32>,
        %gather3A = tpu.vector_load_idx %arg9[%get3A_110] : memref<120xi32, #tpu.memory_space<vmem>>[vector<16xi32>], vector<16xi32>,
        %mul3A_111 = arith.constant 16 : i32
        %mul3A_112 = arith.muli %mul3A_111, %scan3A_104 : i32
        %add3A_113 = vector.broadcast %mul3A_112 : i32 to vector<16xi32>
        %add3A_114 = arith.addi %iota3A, %add3A_113 : vector<16xi32>
        tpu.vector_store_idx %arg12[%gather3A, %add3A_114], %broadcast_in_dim3A_15 : memref<100x256xf32, #tpu.memory_space<vmem>>[vector<16xi32>, vector<16xi32>], vector<16xf32>,
        %scan3A_115 = arith.constant 0 : i32
        scf.yield %scan3A_115 : i32
      }
      %scan3A_92 = arith.constant 10 : i32
      tpu.enqueue_dma source(%arg12 : memref<100x256xf32, #tpu.memory_space<vmem>>) target(%arg5 : memref<100x256xf32, #tpu.memory_space<hbm>>) target_semaphore(%arg17 : memref<!tpu.dma_semaphore, #tpu.memory_space<semaphore_mem>>)
      %add3A_93 = arith.constant 2304 : i32
      %add3A_94 = arith.addi %add3A_8, %add3A_93 : i32
      %dma_wait3A = arith.constant 0 : i32
      %dma_wait3A_95 = tpu.memref_slice %arg4[%dma_wait3A, %add3A_94] : memref<100x100000xf32, #tpu.memory_space<hbm>> -> memref<100x384xf32, #tpu.memory_space<hbm>>
      %dma_wait3A_96 = arith.constant 0 : i32
      %dma_wait3A_97 = tpu.memref_slice %arg4[%dma_wait3A_96, %add3A_94] : memref<100x100000xf32, #tpu.memory_space<hbm>> -> memref<100x384xf32, #tpu.memory_space<hbm>>
      tpu.wait_dma2 semaphore(%arg15 : memref<!tpu.dma_semaphore, #tpu.memory_space<semaphore_mem>>) src(%arg10 : memref<100x384xf32, #tpu.memory_space<vmem>>) dst(%dma_wait3A_97 : memref<100x384xf32, #tpu.memory_space<hbm>>)
      %add3A_98 = arith.constant 2688 : i32
      %add3A_99 = arith.addi %add3A_8, %add3A_98 : i32
      %dma_wait3A_100 = arith.constant 0 : i32
      %dma_wait3A_101 = tpu.memref_slice %arg4[%dma_wait3A_100, %add3A_99] : memref<100x100000xf32, #tpu.memory_space<hbm>> -> memref<100x384xf32, #tpu.memory_space<hbm>>
      %dma_wait3A_102 = arith.constant 0 : i32
      %dma_wait3A_103 = tpu.memref_slice %arg4[%dma_wait3A_102, %add3A_99] : memref<100x100000xf32, #tpu.memory_space<hbm>> -> memref<100x384xf32, #tpu.memory_space<hbm>>
      tpu.wait_dma2 semaphore(%arg16 : memref<!tpu.dma_semaphore, #tpu.memory_space<semaphore_mem>>) src(%arg11 : memref<100x384xf32, #tpu.memory_space<vmem>>) dst(%dma_wait3A_103 : memref<100x384xf32, #tpu.memory_space<hbm>>)
      tpu.wait_dma2 semaphore(%arg17 : memref<!tpu.dma_semaphore, #tpu.memory_space<semaphore_mem>>) src(%arg12 : memref<100x256xf32, #tpu.memory_space<vmem>>) dst(%arg5 : memref<100x256xf32, #tpu.memory_space<hbm>>)
    } else {
    }
    %ge3A = arith.constant 4 : i32
    %ge3A_73 = arith.cmpi sge, %add3A, %ge3A : i32
    %lt3A_74 = arith.constant 31 : i32
    %lt3A_75 = arith.cmpi slt, %add3A, %lt3A_74 : i32
    %and3A = arith.andi %ge3A_73, %lt3A_75 : i1
    %convert_element_type3A_76 = arith.extui %and3A : i1 to i32
    %cond3A_77 = arith.constant 0 : i32
    %cond3A_78 = arith.cmpi ne, %convert_element_type3A_76, %cond3A_77 : i32
    scf.if %cond3A_78 {
      %add3A_79 = arith.constant 2304 : i32
      %add3A_80 = arith.addi %add3A_8, %add3A_79 : i32
      %dma_wait3A = arith.constant 0 : i32
      %dma_wait3A_81 = tpu.memref_slice %arg4[%dma_wait3A, %add3A_80] : memref<100x100000xf32, #tpu.memory_space<hbm>> -> memref<100x384xf32, #tpu.memory_space<hbm>>
      %dma_wait3A_82 = arith.constant 0 : i32
      %dma_wait3A_83 = tpu.memref_slice %arg4[%dma_wait3A_82, %add3A_80] : memref<100x100000xf32, #tpu.memory_space<hbm>> -> memref<100x384xf32, #tpu.memory_space<hbm>>
      tpu.wait_dma2 semaphore(%arg15 : memref<!tpu.dma_semaphore, #tpu.memory_space<semaphore_mem>>) src(%arg10 : memref<100x384xf32, #tpu.memory_space<vmem>>) dst(%dma_wait3A_83 : memref<100x384xf32, #tpu.memory_space<hbm>>)
      %add3A_84 = arith.constant 2688 : i32
      %add3A_85 = arith.addi %add3A_8, %add3A_84 : i32
      %dma_wait3A_86 = arith.constant 0 : i32
      %dma_wait3A_87 = tpu.memref_slice %arg4[%dma_wait3A_86, %add3A_85] : memref<100x100000xf32, #tpu.memory_space<hbm>> -> memref<100x384xf32, #tpu.memory_space<hbm>>
      %dma_wait3A_88 = arith.constant 0 : i32
      %dma_wait3A_89 = tpu.memref_slice %arg4[%dma_wait3A_88, %add3A_85] : memref<100x100000xf32, #tpu.memory_space<hbm>> -> memref<100x384xf32, #tpu.memory_space<hbm>>
      tpu.wait_dma2 semaphore(%arg16 : memref<!tpu.dma_semaphore, #tpu.memory_space<semaphore_mem>>) src(%arg11 : memref<100x384xf32, #tpu.memory_space<vmem>>) dst(%dma_wait3A_89 : memref<100x384xf32, #tpu.memory_space<hbm>>)
    } else {
    }
    return
  }
}

</mosaic_0001>

<sc_bundles>
// kernel: kernel.3.cloned.1.call-start
scs
__scs_entry_jumppad:
0x0: {  	(pc) =	sbr.rel $0x88, $3  }
0x1: {  	(tag) =	ssettag $0x0;
	lr =	simm.s32 $0x1  }
0x2: {  	[smem:$0x3F9F] =	sst lr;
	_ =	strace $0xD0000000  }
0x3: {  	_ = 	snop  }
0x4: {  	_ = 	snop  }
0x5: {  	_ = 	snop  }
0x6: {  	_ = 	snop  }
0x7: {  	_ = 	snop  }
__scs_overlays_trampoline_lowered:
0x8: {  	[smem:$0x3FAE] =	sst s0  }
0x9: {  	[smem:$0x3FAF] =	sst s1  }
0xa: {  	[smem:$0x3FB0] =	sst s2  }
0xb: {  	[smem:$0x3FB1] =	sst s3  }
0xc: {  	[smem:$0x3FB2] =	sst s4  }
0xd: {  	[smem:$0x3FB3] =	sst s5  }
0xe: {  	[smem:$0x3FB4] =	sst s6  }
0xf: {  	[smem:$0x3FB5] =	sst s7  }
0x10: {  	[smem:$0x3FB6] =	sst s8  }
0x11: {  	[smem:$0x3FB7] =	sst s9;
	s0 =	simm.s32 @!p0 $0x0  }
0x12: {  	s1 =	sld [smem:$0x3F9D];
	s0 =	simm.s32 @p0 $0x1  }
0x13: {  	[smem:$0x3FB8] =	sst s0;
	s0 =	simm.s32 @!p1 $0x0  }
0x14: {  	s2 =	sld [smem:$0x3F9C];
	s0 =	simm.s32 @p1 $0x1  }
0x15: {  	[smem:$0x3FB9] =	sst s0;
	s0 =	simm.s32 @!p2 $0x0  }
0x16: {  	s3 =	sld [smem:$0x3FDB];
	s0 =	simm.s32 @p2 $0x1  }
0x17: {  	s4 =	simm.s32 $0x1BF5;
	[smem:$0x3FBB] =	sst s0  }
0x18: {  	s0 =	sld [smem:$0x3F9E];
	_ =	swait.ge [sflag:s4], $0x0  }
0x19: {  	s7 =	sld [smem:$0x3F9F]  }
0x1a: {  	s8 =	sadd.s32 $0xFFFFE003, lr  }
0x1b: {  	s9 =	sadd.s32 $0xFFFFFEF7, lr;
	s5 =	simm.s32 $0xFFFFFFFF;
	p2 =	slt.u32 s8, $0xFFFFF086  }
0x1c: {  	p1 =	slt.u32 s9, $0xF7A;
	s5 =	simm.s32 @!p2 $0x0  }
0x1d: {  	s5 =	simm.s32 @p1 $0x1;
	p0 =	seq.s32 s7, s2  }
0x1e: {  	s7 =	smul.u32 @!p0 $0xF7A, s2;
	p2 =	seq.s32 @!p0 s5, $0x0  }
0x1f: {  	s9 =	smul.u32 $0xF7A, s1;
	s8 =	simm.s32 @!p0 $0x1BF5;
	p2 =	por !p2, p0  }
0x20: {  	[sflag:s8] =	ssyncset.s32 @!p0 $0xFFFFF086;
	s6 =	sadd.s32 @!p0 s3, s7;
	s7 =	simm.s32 @!p0 $0x108  }
0x21: {  	s3 =	sadd.s32 s3, s9;
	s6 =	sadd.s32 @!p0 $0x88, s6;
	s7 =	simm.s32 @p2 $0x1082  }
0x22: {  	[simem:s7], [sflag:s8] =	dma.local @!p0 [hbm:s6], $0xF7A  }
0x23: {  	s9 =	sor.u32 $0xD0000000, s2;
	s6 =	simm.s32 $0x108;
	_ =	swait.ge @!p0 [sflag:s8], $0x0  }
0x24: {  	s3 =	sadd.s32 $0x88, s3;
	s6 =	simm.s32 @!p1 $0x1082;
	[sflag:s4] =	ssyncset.s32 $0xFFFFF086  }
0x25: {  	[simem:s6], [sflag:s4] =	dma.local [hbm:s3], $0xF7A  }
0x26: {  	[smem:$0x3F9F] =	sst s1;
	(tag) =	ssettag s2;
	_ =	strace s9  }
0x27: {  	s1 =	sld [smem:$0x3FAF]  }
0x28: {  	s2 =	sld [smem:$0x3FB0]  }
0x29: {  	s4 =	sld [smem:$0x3FB2]  }
0x2a: {  	p0 =	seq.s32 s5, $0x0;
	s5 =	sld [smem:$0x3FB3]  }
0x2b: {  	s6 =	sld [smem:$0x3FB4]  }
0x2c: {  	s7 =	sld [smem:$0x3FB5]  }
0x2d: {  	s3 =	simm.s32 $0x108;
	s8 =	sld [smem:$0x3FB6]  }
0x2e: {  	s3 =	simm.s32 @!p0 $0x1082;
	s9 =	sld [smem:$0x3FB7]  }
0x2f: {  	lr =	sadd.s32 s0, s3;
	s0 =	sld [smem:$0x3FAE]  }
0x30: {  	s3 =	sld [smem:$0x3FB1]  }
0x31: {  	[smem:$0x3FBA] =	sst s10  }
0x32: {  	s10 =	sld [smem:$0x3FB8];
	_ =	sdelay $0x3  }
0x33: {  	p0 =	seq.s32 s10, $0x1;
	s10 =	sld [smem:$0x3FBA];
	_ =	sdelay $0x3  }
0x34: {  	[smem:$0x3FBA] =	sst s10  }
0x35: {  	s10 =	sld [smem:$0x3FB9];
	_ =	sdelay $0x3  }
0x36: {  	p1 =	seq.s32 s10, $0x1;
	s10 =	sld [smem:$0x3FBA];
	_ =	sdelay $0x3  }
0x37: {  	[smem:$0x3FBA] =	sst s10  }
0x38: {  	s10 =	sld [smem:$0x3FBB]  }
0x39: {  	_ = 	snop;
	(pc) =	sbr.ind lr, $3  }
0x3a: {  	_ = 	snop  }
0x3b: {  	_ = 	snop  }
0x3c: {  	p2 =	seq.s32 s10, $0x1;
	s10 =	sld [smem:$0x3FBA]  }
0x3d: {  	_ =	shalt  }
0x3e: {  	_ =	shalt  }
0x3f: {  	_ =	shalt  }
0x40: {  	_ =	shalt  }
0x41: {  	_ =	shalt  }
0x42: {  	_ =	shalt  }
0x43: {  	_ =	shalt  }
0x44: {  	_ =	shalt  }
0x45: {  	_ =	shalt  }
0x46: {  	_ =	shalt  }
0x47: {  	_ =	shalt  }
0x48: {  	_ =	shalt  }
0x49: {  	_ =	shalt  }
0x4a: {  	_ =	shalt  }
0x4b: {  	_ =	shalt  }
0x4c: {  	_ =	shalt  }
0x4d: {  	_ =	shalt  }
0x4e: {  	_ =	shalt  }
0x4f: {  	_ =	shalt  }
0x50: {  	_ =	shalt  }
0x51: {  	_ =	shalt  }
0x52: {  	_ =	shalt  }
0x53: {  	_ =	shalt  }
0x54: {  	_ =	shalt  }
0x55: {  	_ =	shalt  }
0x56: {  	_ =	shalt  }
0x57: {  	_ =	shalt  }
0x58: {  	_ =	shalt  }
0x59: {  	_ =	shalt  }
0x5a: {  	_ =	shalt  }
0x5b: {  	_ =	shalt  }
0x5c: {  	_ =	shalt  }
0x5d: {  	_ =	shalt  }
0x5e: {  	_ =	shalt  }
0x5f: {  	_ =	shalt  }
0x60: {  	_ =	shalt  }
0x61: {  	_ =	shalt  }
0x62: {  	_ =	shalt  }
0x63: {  	_ =	shalt  }
0x64: {  	_ =	shalt  }
0x65: {  	_ =	shalt  }
0x66: {  	_ =	shalt  }
0x67: {  	_ =	shalt  }
0x68: {  	_ =	shalt  }
0x69: {  	_ =	shalt  }
0x6a: {  	_ =	shalt  }
0x6b: {  	_ =	shalt  }
0x6c: {  	_ =	shalt  }
0x6d: {  	_ =	shalt  }
0x6e: {  	_ =	shalt  }
0x6f: {  	_ =	shalt  }
0x70: {  	_ =	shalt  }
0x71: {  	_ =	shalt  }
0x72: {  	_ =	shalt  }
0x73: {  	_ =	shalt  }
0x74: {  	_ =	shalt  }
0x75: {  	_ =	shalt  }
0x76: {  	_ =	shalt  }
0x77: {  	_ =	shalt  }
0x78: {  	_ =	shalt  }
0x79: {  	_ =	shalt  }
0x7a: {  	_ =	shalt  }
0x7b: {  	_ =	shalt  }
0x7c: {  	_ =	shalt  }
0x7d: {  	_ =	shalt  }
0x7e: {  	_ =	shalt  }
0x7f: {  	_ =	shalt  }
0x80: {  	_ =	shalt  }
0x81: {  	_ =	shalt  }
0x82: {  	_ =	shalt  }
0x83: {  	_ =	shalt  }
0x84: {  	_ =	shalt  }
0x85: {  	_ =	shalt  }
0x86: {  	_ =	shalt  }
0x87: {  	_ =	shalt  }
.Lfunc_end0:
.L_simem_size_0:
called_computation_lowered:
.L_overlay_start_0:
0x88: {  	s2 =	sld [smem:$0x3FD9]  }
0x89: {  	s3 =	sld [smem:$0x3FFE];
	_ =	sdelay $0x1  }
0x8a: {  	s1 =	srdreg.scid  }
0x8b: {  	s0 =	sand.u32 $0x1, s1  }
0x8c: {  	s17 =	sshll.u32 s0, $0xA;
	s2 =	sadd.s32 s3, s2  }
0x8d: {  	s2 =	sadd.s32 s2, s17  }
0x8e: {  	[smem:$0x3FC6] =	sst s2  }
0x8f: {  	_ = 	snop  }
0x90: {  	s2 =	sld [smem:$0x3FC9]  }
0x91: {  	s18 =	sld [smem:$0x3FC8]  }
0x92: {  	s4 =	sld [smem:$0x3FD0];
	(tm) =	ssettm $0x1  }
0x93: {  	s5 =	sld [smem:$0x3FFB];
	_ =	sdelay $0x3  }
0x94: {  	_ =	strace s5  }
0x95: {  	s5 =	sld [smem:$0x3FFC];
	_ =	sdelay $0x3  }
0x96: {  	_ =	strace s5  }
0x97: {  	s5 =	sld [smem:$0x3FFD];
	_ =	sdelay $0x3  }
0x98: {  	_ =	strace s5  }
0x99: {  	_ =	strace $0x8FFFFFFF  }
0x9a: {  	s19 =	sld [smem:$0x3FDB];
	_ =	sdelay $0x1  }
0x9b: {  	s6 =	simm.s32 $_scs_section_size  }
0x9c: {  	s7 =	simm.s32 $_size__tile_overlayer_lowered;
	s8 =	simm.s32 $_tile_overlayer_lowered  }
0x9d: {  	s22 =	simm.s32 $0x1BFF;
	s21 =	sshll.u32 s8, $0x1;
	s5 =	sadd.s32 s6, s19  }
0x9e: {  	s9 =	simm.s32 $0x0;
	s20 =	sshll.u32 s7, $0x1;
	s7 =	sadd.s32 s21, s5  }
0x9f: {  	[timem:s9], [sflag:s22] =	dma.local [hbm:s7], s20  }
0xa0: {  	_ =	swait.ge [sflag:s22], s20  }
0xa1: {  	s6 =	ssub.s32 $0x0, s20;
	[sflag:s22] =	ssyncset.done $0x0  }
0xa2: {  	[sflag:s22] =	ssyncadd.s32 s6;
	_ =	sdelay $0x1  }
0xa3: {  	s23 =	simm.s32 $0x1B8B  }
0xa4: {  	_ =	swait.ge [sflag:s23], $0x1  }
0xa5: {  	[sflag:s23] =	ssyncset.done $0x0  }
0xa6: {  	s25 =	simm.s32 $0x1B8E;
	s24 =	sld [smem:$0x3FFE];
	[sflag:s23] =	ssyncadd.s32 $0xFFFFFFFF  }
0xa7: {  	s26 =	simm.s32 $execute0_lowered;
	[smem:$0x3FD2] =	sst s25  }
0xa8: {  	s7 =	sshll.u32 s26, $0x1;
	_ =	strace $0x80000046;
	[dreg:$0x1] =	wrdreg $0xFFFFFFFF  }
0xa9: {  	s28 =	simm.s32 $_size_execute0_lowered;
	s5 =	sadd.s32 s5, s7;
	[dreg:$0x0] =	wrdreg $0x0  }
0xaa: {  	s7 =	sshll.u32 s28, $0x1;
	[dreg:$0x2] =	wrdreg s5  }
0xab: {  	[dreg:$0x3] =	wrdreg s7  }
0xac: {  	[dreg:$0x4] =	wrdreg $0xC0  }
0xad: {  	_ =	task [dreg:s9], $0x5FFFF  }
0xae: {  	[dreg:$0x1] =	wrdreg $0xFFFFFFFF  }
0xaf: {  	[dreg:$0x0] =	wrdreg $0x60  }
0xb0: {  	[dreg:$0x2] =	wrdreg s2  }
0xb1: {  	[dreg:$0x3] =	wrdreg s18  }
0xb2: {  	[dreg:$0x4] =	wrdreg s4  }
0xb3: {  	[dreg:$0x5] =	wrdreg s24  }
0xb4: {  	[dreg:$0x6] =	wrdreg $0x9  }
0xb5: {  	_ =	task.clear_ibuf [dreg:s9], $0x7FFFF;
	_ =	strace $0x90000046  }
0xb6: {  	s29 =	simm.s32 $0x9;
	_ =	strace $0x80000048  }
0xb7: {  	_ =	swait.ge [sflag:s29], $0x1  }
0xb8: {  	[sflag:s29] =	ssyncadd.s32 $0xFFFFFFFF  }
0xb9: {  	_ =	strace $0x90000048  }
0xba: {  	_ =	sfence  }
0xbb: {  	s30 =	sld [smem:$0x0];
	_ =	sdelay $0x2  }
0xbc: {  	s31 =	sshll.u32 s1, $0xD;
	s1 =	sshrl.u32 s1, $0x2  }
0xbd: {  	s3 =	sand.u32 $0x4000, s31;
	s1 =	sadd.s32 s1, s30  }
0xbe: {  	s0 =	sor.u32 s3, s0;
	s1 =	sshll.u32 s1, $0x11  }
0xbf: {  	s0 =	sor.u32 s1, s0  }
0xc0: {  	s0 =	sadd.s32 $0x8F2B, s0  }
0xc1: {  	[sflag:s0] =	ssyncadd.remote.s32 $0x1  }
0xc2: {  	_ =	sfence.sel $0xFFFF  }
0xc3: {  	[dreg:$0x0] =	wrdreg $0xFFFFFFFF;
	(pc) =	sbr.abs _section_cstart, $3  }
0xc4: {  	[dreg:$0x1] =	wrdreg $0xFFFFFFFF  }
0xc5: {  	_ =	task.clear_ibuf [dreg:s9], $0x2FFFF;
	_ =	strace $0x9FFFFFFF  }
0xc6: {  	(tm) =	ssettm $0x7FFFFFFF  }
0xc7: {  	_ =	shalt  }
tec
execute0_lowered:
.L_overlay_start_1:
0x0: {  	(tag) =	ssettag $0x1  }
0x1: {  	s2 =	rddreg [dreg:$0x0]  }
0x2: {  	s1 =	srdreg.scid;
	s10 =	rddreg [dreg:$0x2]  }
0x3: {  	s0 =	stileid.u32;
	s4 =	rddreg [dreg:$0x3];
	s13 =	simm.s32 $0x4  }
0x4: {  	s15 =	simm.s32 $0xC00;
	s16 =	simm.s32 $0xC3800;
	s17 =	simm.s32 $0xAB00  }
0x5: {  	s18 =	simm.s32 $0x1;
	s19 =	simm.s32 $0x2;
	s20 =	simm.s32 $0x14700  }
0x6: {  	s21 =	simm.s32 $0x3;
	s22 =	simm.s32 $0x0;
	s5 =	sand.u32 $0x1, s1  }
0x7: {  	s3 =	sshll.u32 s0, $0x1;
	s1 =	rddreg [dreg:$0x1];
	s4 =	sadd.s32 $0x800, s4  }
0x8: {  	p0 =	sgt.u32 s0, $0x1;
	s14 =	sor.u32 s5, s3;
	s5 =	ssub.s32 $0x2, s5  }
0x9: {  	s3 =	smin.u32 s14, $0x4;
	s7 =	smax.u32 s14, $0x4;
	s26 =	sshrl.u32 s5, $0x1  }
0xa: {  	s31 =	sadd.s32 $0xFFFFFFFC, s14;
	p1 =	sne.s32 s14, $0x1F;
	s6 =	smul.u32 $0xD80, s3  }
0xb: {  	s14 =	simm.s32 $0xF00;
	s3 =	simm.s32 $0x0;
	s7 =	smul.u32 $0xC00, s7  }
0xc: {  	s12 =	ssub.s32 s5, s26;
	p2 =	sgt.u32 s31, $0x1A;
	[smem:$0x7FF] =	sst s3  }
0xd: {  	_ =	strace $0x80000047;
	s8 =	sadd.s32 s6, s7;
	s7 =	sadd.s32 $0x30C0, s2  }
.Ltmp0:
0xe: {  	s9 =	sadd.s32 $0xFFFFD000, s8;
	s11 =	sadd.s32 $0xFFFFDC00, s8;
	(pc) =	sbr.rel .LBB2_1-.Ltmp0, $4  }
0xf: {  	s30 =	sadd.s32 $0xFFFFD180, s8;
	s28 =	sshrl.u32 s9, $0x3;
	s29 =	sshrl.u32 s11, $0x3  }
0x10: {  	s5 =	sadd.s32 s2, s28;
	s6 =	sadd.s32 s2, s29;
	s2 =	sand.u32 $0x1FFFFF80, s30  }
0x11: {  	s8 =	sadd.s32 s10, s9;
	s11 =	sand.u32 $0x1FFFFF80, s11;
	s9 =	sadd.s32 s10, s2  }
0x12: {  	v0 =	vimm.f32 $0.0e+00;
	v1 =	vlaneseq.u32;
	v2 =	vimm.f32 $1.000000000e+00;
	s10 =	sadd.s32 s10, s11;
	s11 =	smax.u32 s12, $0x1;
	s12 =	simm.s32 $0xE80  }
.LBB2_31:
0x13: {  	s2 =	simm.s32 @!p2 $0x1  }
0x14: {  	_ =	swait.ge @!p2 [sflag:s2], $0x9C00  }
0x15: {  	[sflag:s2] =	ssyncset.done @!p2 $0x0  }
0x16: {  	[sflag:s2] =	ssyncadd.s32 @!p2 $0xFFFF6400;
	s2 =	simm.s32 @!p2 $0x2  }
0x17: {  	_ =	swait.ge @!p2 [sflag:s2], $0x9C00  }
0x18: {  	[sflag:s2] =	ssyncset.done @!p2 $0x0  }
0x19: {  	[sflag:s2] =	ssyncadd.s32 @!p2 $0xFFFF6400  }
.LBB2_32:
0x1a: {  	s22 =	sadd.s32 $0x1, s22  }
0x1b: {  	p3 =	sne.s32 s22, s11  }
.Ltmp1:
0x1c: {  	_ = 	snop;
	(pc) =	sbr.rel @!p3 .LBB2_33-.Ltmp1, $1  }
0x1d: {  	_ =	sdelay $0x3  }
.LBB2_1:
0x1e: {  	[tilespmem:s12], [sflag:$0x4] =	stream.linear.gather [hbm4b:s1+s3], $0x80, $0x38;
	[tilespmem:$0x1B200] =	vst v63  }
0x1f: {  	_ =	swait.ge [sflag:s13], $0x80  }
0x20: {  	[sflag:s13] =	ssyncset.done $0x0  }
0x21: {  	[sflag:s13] =	ssyncadd.s32 $0xFFFFFF80  }
0x22: {  	[tilespmem:s3], [sflag:$0x4] =	stream.linear.gather [hbm4b:s5+s3], $0xC00, $0x38;
	[tilespmem:$0x1B200] =	vst v63  }
0x23: {  	_ =	swait.ge [sflag:s13], $0xC00  }
0x24: {  	[sflag:s13] =	ssyncset.done $0x0  }
0x25: {  	s2 =	simm.s32 @!p0 $0x0;
	s23 =	simm.s32 @!p0 $0xC00;
	[sflag:s13] =	ssyncadd.s32 $0xFFFFF400  }
0x26: {  	[tilespmem:s23], [sflag:$0x4] =	stream.linear.gather @!p0 [hbm4b:s6+s2], $0x180, $0x38;
	[tilespmem:$0x1B200] =	vst v63  }
0x27: {  	s2 =	simm.s32 @!p0 $0x4  }
0x28: {  	_ =	swait.ge @!p0 [sflag:s2], $0x180  }
0x29: {  	s31 =	simm.s32 $0x0;
	[sflag:s2] =	ssyncset.done @!p0 $0x0  }
0x2a: {  	s23 =	simm.s32 @!p1 $0xD80;
	[sflag:s2] =	ssyncadd.s32 @!p0 $0xFFFFFE80;
	s2 =	simm.s32 @!p1 $0x0  }
0x2b: {  	[tilespmem:s23], [sflag:$0x4] =	stream.linear.gather @!p1 [hbm4b:s7+s2], $0xA0, $0x38;
	[tilespmem:$0x1B200] =	vst v63  }
0x2c: {  	s23 =	simm.s32 @!p1 $0x4;
	s2 =	smul.u32 $0x3000, s31  }
0x2d: {  	_ =	swait.ge @!p1 [sflag:s23], $0xA0  }
0x2e: {  	s24 =	sand.u32 $0x380, s3;
	[sflag:s23] =	ssyncset.done @!p1 $0x0;
	s2 =	sshra.s32 s2, $0x2  }
0x2f: {  	[sflag:s23] =	ssyncadd.s32 @!p1 $0xFFFFFF60;
	s23 =	sor.u32 s24, s2  }
0x30: {  	[tilespmem:s23+$0x1770] =	vst v0  }
0x31: {  	[tilespmem:s23+$0xF00] =	vst v0  }
0x32: {  	[tilespmem:s23+$0xF10] =	vst v0  }
0x33: {  	[tilespmem:s23+$0xF20] =	vst v0  }
0x34: {  	[tilespmem:s23+$0xF30] =	vst v0  }
0x35: {  	[tilespmem:s23+$0xF40] =	vst v0  }
0x36: {  	[tilespmem:s23+$0xF50] =	vst v0  }
0x37: {  	[tilespmem:s23+$0xF60] =	vst v0  }
0x38: {  	[tilespmem:s23+$0xF70] =	vst v0  }
0x39: {  	[tilespmem:s23+$0x1300] =	vst v0  }
0x3a: {  	[tilespmem:s23+$0x1310] =	vst v0  }
0x3b: {  	[tilespmem:s23+$0x1320] =	vst v0  }
0x3c: {  	[tilespmem:s23+$0x1330] =	vst v0  }
0x3d: {  	[tilespmem:s23+$0x1340] =	vst v0  }
0x3e: {  	[tilespmem:s23+$0x1350] =	vst v0  }
0x3f: {  	[tilespmem:s23+$0x1360] =	vst v0  }
0x40: {  	[tilespmem:s23+$0x1370] =	vst v0  }
0x41: {  	[tilespmem:s23+$0x1700] =	vst v0  }
0x42: {  	[tilespmem:s23+$0x1710] =	vst v0  }
0x43: {  	s26 =	simm.s32 $0x0;
	s25 =	simm.s32 $0x2;
	s24 =	simm.s32 $0x0;
	[tilespmem:s23+$0x1720] =	vst v0  }
.LBB2_2:
0x44: {  	p3 =	sne.s32 s25, $0x63;
	s2 =	smul.u32 $0x3000, s26;
	[tilespmem:s23+$0x1730] =	vst v0  }
0x45: {  	s24 =	sadd.s32 $0x80, s24;
	[tilespmem:s23+$0x1740] =	vst v0  }
0x46: {  	s26 =	sand.u32 $0x380, s24;
	s2 =	sshra.s32 s2, $0x2;
	[tilespmem:s23+$0x1750] =	vst v0  }
0x47: {  	[tilespmem:s23+$0x1760] =	vst v0;
	s23 =	sor.u32 s26, s2  }
0x48: {  	[tilespmem:s23+$0x1770] =	vst v0  }
0x49: {  	[tilespmem:s23+$0xF00] =	vst v0  }
0x4a: {  	[tilespmem:s23+$0xF10] =	vst v0  }
0x4b: {  	[tilespmem:s23+$0xF20] =	vst v0  }
0x4c: {  	[tilespmem:s23+$0xF30] =	vst v0  }
0x4d: {  	[tilespmem:s23+$0xF40] =	vst v0  }
0x4e: {  	[tilespmem:s23+$0xF50] =	vst v0  }
0x4f: {  	[tilespmem:s23+$0xF60] =	vst v0  }
0x50: {  	[tilespmem:s23+$0xF70] =	vst v0  }
0x51: {  	[tilespmem:s23+$0x1300] =	vst v0  }
0x52: {  	[tilespmem:s23+$0x1310] =	vst v0  }
0x53: {  	[tilespmem:s23+$0x1320] =	vst v0  }
0x54: {  	[tilespmem:s23+$0x1330] =	vst v0  }
0x55: {  	[tilespmem:s23+$0x1340] =	vst v0  }
0x56: {  	[tilespmem:s23+$0x1350] =	vst v0  }
.Ltmp2:
0x57: {  	[tilespmem:s23+$0x1360] =	vst v0;
	(pc) =	sbr.rel @p3 .LBB2_2-.Ltmp2, $4  }
0x58: {  	[tilespmem:s23+$0x1370] =	vst v0  }
0x59: {  	[tilespmem:s23+$0x1700] =	vst v0  }
0x5a: {  	[tilespmem:s23+$0x1710] =	vst v0  }
0x5b: {  	s26 =	sshrl.u32 s25, $0x3;
	s25 =	sadd.s32 $0x1, s25;
	[tilespmem:s23+$0x1720] =	vst v0  }
0x5c: {  	s2 =	smul.u32 $0x3000, s26;
	[tilespmem:s23+$0x1730] =	vst v0  }
0x5d: {  	[tilespmem:s23+$0x1740] =	vst v0;
	s24 =	sadd.s32 $0x80, s24  }
0x5e: {  	[tilespmem:s23+$0x1750] =	vst v0;
	s24 =	sand.u32 $0x380, s24;
	s2 =	sshra.s32 s2, $0x2  }
0x5f: {  	[tilespmem:s23+$0x1760] =	vst v0;
	s2 =	sor.u32 s24, s2  }
0x60: {  	[tilespmem:s2+$0x1770] =	vst v0  }
0x61: {  	[tilespmem:s2+$0xF00] =	vst v0  }
0x62: {  	[tilespmem:s2+$0xF10] =	vst v0  }
0x63: {  	[tilespmem:s2+$0xF20] =	vst v0  }
0x64: {  	[tilespmem:s2+$0xF30] =	vst v0  }
0x65: {  	[tilespmem:s2+$0xF40] =	vst v0  }
0x66: {  	[tilespmem:s2+$0xF50] =	vst v0  }
0x67: {  	[tilespmem:s2+$0xF60] =	vst v0  }
0x68: {  	[tilespmem:s2+$0xF70] =	vst v0  }
0x69: {  	[tilespmem:s2+$0x1300] =	vst v0  }
0x6a: {  	[tilespmem:s2+$0x1310] =	vst v0  }
0x6b: {  	[tilespmem:s2+$0x1320] =	vst v0  }
0x6c: {  	[tilespmem:s2+$0x1330] =	vst v0  }
0x6d: {  	[tilespmem:s2+$0x1340] =	vst v0  }
0x6e: {  	[tilespmem:s2+$0x1350] =	vst v0  }
0x6f: {  	[tilespmem:s2+$0x1360] =	vst v0  }
0x70: {  	[tilespmem:s2+$0x1370] =	vst v0  }
0x71: {  	[tilespmem:s2+$0x1700] =	vst v0  }
0x72: {  	[tilespmem:s2+$0x1710] =	vst v0  }
0x73: {  	[tilespmem:s2+$0x1720] =	vst v0  }
0x74: {  	[tilespmem:s2+$0x1730] =	vst v0  }
0x75: {  	[tilespmem:s2+$0x1740] =	vst v0  }
0x76: {  	[tilespmem:s2+$0x1750] =	vst v0  }
0x77: {  	s23 =	simm.s32 $0x0;
	s25 =	simm.s32 $0x0;
	s24 =	simm.s32 $0x1AF00;
	[tilespmem:s2+$0x1760] =	vst v0  }
.LBB2_4:
0x78: {  	v3 =	vld [tilespmem:s23+$0x0];
	_ =	sdelay $0x7  }
0x79: {  	v3 =	vld.idx.msk [tilespmem:v3+s12+$0x0], $0xffff;
	_ =	sdelay $0x4  }
0x7a: {  	v4 =	vmov s25;
	v5 =	vshrl.u32 v3, $0x3  }
0x7b: {  	v4 =	vshll.u32 v4, $0x3;
	v5 =	vmul.u32 $0xC00, v5  }
0x7c: {  	v4 =	vand.u32 $0xC00, v4;
	v6 =	vshll.u32 v3, $0x7  }
0x7d: {  	v63 =	vor.u32 s25, v1;
	v6 =	vand.u32 $0x380, v6;
	v4 =	vadd.s32 v4, v5  }
0x7e: {  	v5 =	vand.u32 $0x7F, v63;
	v4 =	vor.u32 v6, v4  }
0x7f: {  	v4 =	vor.u32 v5, v4  }
0x80: {  	p3 =	sne.s32 s25, $0x170  }
.Ltmp3:
0x81: {  	_ = 	snop;
	(pc) =	sbr.rel @p3 .LBB2_4-.Ltmp3, $3  }
0x82: {  	_ =	sdelay $0x1  }
0x83: {  	[tilespmem:v4+s14+$0x0] =	vst.idx.msk $0xffff, v2  }
0x84: {  	s23 =	sadd.s32 $0x10, s23;
	s25 =	sadd.s32 $0x10, s25;
	[tilespmem:s24+$0x0] =	vst v3;
	s24 =	sadd.s32 $0x10, s24  }
0x85: {  	[hbm4b:s8+s15] =	stream.strided.scatter [tilespmem:s14], [sflag:$0x1], $0x9C00, s16, s15, $0x38;
	[tilespmem:$0x1B200] =	vst v63  }
0x86: {  	s2 =	simm.s32 $0x0  }
0x87: {  	s2 =	smul.u32 $0x3000, s2  }
0x88: {  	s23 =	simm.s32 $0x0  }
0x89: {  	s24 =	sand.u32 $0x380, s23;
	s2 =	sshra.s32 s2, $0x2  }
0x8a: {  	s24 =	sor.u32 s24, s2  }
0x8b: {  	[tilespmem:s24+$0xB370] =	vst v0  }
0x8c: {  	[tilespmem:s24+$0xAB00] =	vst v0  }
0x8d: {  	[tilespmem:s24+$0xAB10] =	vst v0  }
0x8e: {  	[tilespmem:s24+$0xAB20] =	vst v0  }
0x8f: {  	[tilespmem:s24+$0xAB30] =	vst v0  }
0x90: {  	[tilespmem:s24+$0xAB40] =	vst v0  }
0x91: {  	[tilespmem:s24+$0xAB50] =	vst v0  }
0x92: {  	[tilespmem:s24+$0xAB60] =	vst v0  }
0x93: {  	[tilespmem:s24+$0xAB70] =	vst v0  }
0x94: {  	[tilespmem:s24+$0xAF00] =	vst v0  }
0x95: {  	[tilespmem:s24+$0xAF10] =	vst v0  }
0x96: {  	[tilespmem:s24+$0xAF20] =	vst v0  }
0x97: {  	[tilespmem:s24+$0xAF30] =	vst v0  }
0x98: {  	[tilespmem:s24+$0xAF40] =	vst v0  }
0x99: {  	[tilespmem:s24+$0xAF50] =	vst v0  }
0x9a: {  	[tilespmem:s24+$0xAF60] =	vst v0  }
0x9b: {  	[tilespmem:s24+$0xAF70] =	vst v0  }
0x9c: {  	[tilespmem:s24+$0xB300] =	vst v0  }
0x9d: {  	[tilespmem:s24+$0xB310] =	vst v0  }
0x9e: {  	s28 =	simm.s32 $0x0;
	s26 =	simm.s32 $0x2;
	s25 =	simm.s32 $0x0;
	[tilespmem:s24+$0xB320] =	vst v0  }
.LBB2_6:
0x9f: {  	p3 =	sne.s32 s26, $0x63;
	s2 =	smul.u32 $0x3000, s28;
	[tilespmem:s24+$0xB330] =	vst v0  }
0xa0: {  	s25 =	sadd.s32 $0x80, s25;
	[tilespmem:s24+$0xB340] =	vst v0  }
0xa1: {  	s28 =	sand.u32 $0x380, s25;
	s2 =	sshra.s32 s2, $0x2;
	[tilespmem:s24+$0xB350] =	vst v0  }
0xa2: {  	[tilespmem:s24+$0xB360] =	vst v0;
	s24 =	sor.u32 s28, s2  }
0xa3: {  	[tilespmem:s24+$0xB370] =	vst v0  }
0xa4: {  	[tilespmem:s24+$0xAB00] =	vst v0  }
0xa5: {  	[tilespmem:s24+$0xAB10] =	vst v0  }
0xa6: {  	[tilespmem:s24+$0xAB20] =	vst v0  }
0xa7: {  	[tilespmem:s24+$0xAB30] =	vst v0  }
0xa8: {  	[tilespmem:s24+$0xAB40] =	vst v0  }
0xa9: {  	[tilespmem:s24+$0xAB50] =	vst v0  }
0xaa: {  	[tilespmem:s24+$0xAB60] =	vst v0  }
0xab: {  	[tilespmem:s24+$0xAB70] =	vst v0  }
0xac: {  	[tilespmem:s24+$0xAF00] =	vst v0  }
0xad: {  	[tilespmem:s24+$0xAF10] =	vst v0  }
0xae: {  	[tilespmem:s24+$0xAF20] =	vst v0  }
0xaf: {  	[tilespmem:s24+$0xAF30] =	vst v0  }
0xb0: {  	[tilespmem:s24+$0xAF40] =	vst v0  }
0xb1: {  	[tilespmem:s24+$0xAF50] =	vst v0  }
.Ltmp4:
0xb2: {  	[tilespmem:s24+$0xAF60] =	vst v0;
	(pc) =	sbr.rel @p3 .LBB2_6-.Ltmp4, $4  }
0xb3: {  	[tilespmem:s24+$0xAF70] =	vst v0  }
0xb4: {  	[tilespmem:s24+$0xB300] =	vst v0  }
0xb5: {  	[tilespmem:s24+$0xB310] =	vst v0  }
0xb6: {  	s28 =	sshrl.u32 s26, $0x3;
	s26 =	sadd.s32 $0x1, s26;
	[tilespmem:s24+$0xB320] =	vst v0  }
0xb7: {  	s2 =	smul.u32 $0x3000, s28;
	[tilespmem:s24+$0xB330] =	vst v0  }
0xb8: {  	[tilespmem:s24+$0xB340] =	vst v0;
	s25 =	sadd.s32 $0x80, s25  }
0xb9: {  	[tilespmem:s24+$0xB350] =	vst v0;
	s25 =	sand.u32 $0x380, s25;
	s2 =	sshra.s32 s2, $0x2  }
0xba: {  	[tilespmem:s24+$0xB360] =	vst v0;
	s2 =	sor.u32 s25, s2  }
0xbb: {  	[tilespmem:s2+$0xB370] =	vst v0  }
0xbc: {  	[tilespmem:s2+$0xAB00] =	vst v0  }
0xbd: {  	[tilespmem:s2+$0xAB10] =	vst v0  }
0xbe: {  	[tilespmem:s2+$0xAB20] =	vst v0  }
0xbf: {  	[tilespmem:s2+$0xAB30] =	vst v0  }
0xc0: {  	[tilespmem:s2+$0xAB40] =	vst v0  }
0xc1: {  	[tilespmem:s2+$0xAB50] =	vst v0  }
0xc2: {  	[tilespmem:s2+$0xAB60] =	vst v0  }
0xc3: {  	[tilespmem:s2+$0xAB70] =	vst v0  }
0xc4: {  	[tilespmem:s2+$0xAF00] =	vst v0  }
0xc5: {  	[tilespmem:s2+$0xAF10] =	vst v0  }
0xc6: {  	[tilespmem:s2+$0xAF20] =	vst v0  }
0xc7: {  	[tilespmem:s2+$0xAF30] =	vst v0  }
0xc8: {  	[tilespmem:s2+$0xAF40] =	vst v0  }
0xc9: {  	[tilespmem:s2+$0xAF50] =	vst v0  }
0xca: {  	[tilespmem:s2+$0xAF60] =	vst v0  }
0xcb: {  	[tilespmem:s2+$0xAF70] =	vst v0  }
0xcc: {  	[tilespmem:s2+$0xB300] =	vst v0  }
0xcd: {  	[tilespmem:s2+$0xB310] =	vst v0  }
0xce: {  	[tilespmem:s2+$0xB320] =	vst v0  }
0xcf: {  	[tilespmem:s2+$0xB330] =	vst v0  }
0xd0: {  	[tilespmem:s2+$0xB340] =	vst v0  }
0xd1: {  	[tilespmem:s2+$0xB350] =	vst v0  }
0xd2: {  	s24 =	simm.s32 $0x1B080;
	[tilespmem:s2+$0xB360] =	vst v0  }
.LBB2_8:
0xd3: {  	s2 =	sand.u32 $0x1F0, s23  }
0xd4: {  	v3 =	vld [tilespmem:s2+$0x180];
	_ =	sdelay $0x7  }
0xd5: {  	v3 =	vld.idx.msk [tilespmem:v3+s12+$0x0], $0xffff;
	_ =	sdelay $0x4  }
0xd6: {  	v4 =	vmov s23;
	v5 =	vshrl.u32 v3, $0x3  }
0xd7: {  	v4 =	vshll.u32 v4, $0x3;
	v5 =	vmul.u32 $0xC00, v5  }
0xd8: {  	v4 =	vand.u32 $0xC00, v4;
	v6 =	vshll.u32 v3, $0x7  }
0xd9: {  	v63 =	vor.u32 s23, v1;
	v6 =	vand.u32 $0x380, v6;
	v4 =	vadd.s32 v4, v5  }
0xda: {  	v5 =	vand.u32 $0x7F, v63;
	v4 =	vor.u32 v6, v4  }
0xdb: {  	v4 =	vor.u32 v5, v4  }
0xdc: {  	p3 =	sne.s32 s23, $0x170  }
.Ltmp5:
0xdd: {  	_ = 	snop;
	(pc) =	sbr.rel @p3 .LBB2_8-.Ltmp5, $3  }
0xde: {  	_ =	sdelay $0x1  }
0xdf: {  	[tilespmem:v4+s17+$0x0] =	vst.idx.msk $0xffff, v2  }
0xe0: {  	s23 =	sadd.s32 $0x10, s23;
	[tilespmem:s24+$0x0] =	vst v3;
	s24 =	sadd.s32 $0x10, s24  }
0xe1: {  	[hbm4b:s9+s15] =	stream.strided.scatter [tilespmem:s17], [sflag:$0x2], $0x9C00, s16, s15, $0x38;
	[tilespmem:$0x1B200] =	vst v63  }
0xe2: {  	s23 =	simm.s32 $0x1;
	s24 =	simm.s32 $0x300;
	s25 =	simm.s32 $0x480  }
.LBB2_10:
0xe3: {  	_ =	swait.ge [sflag:s18], $0x9C00  }
0xe4: {  	[sflag:s18] =	ssyncset.done $0x0  }
0xe5: {  	s28 =	simm.s32 $0x1AF00;
	[sflag:s18] =	ssyncadd.s32 $0xFFFF6400  }
0xe6: {  	s26 =	simm.s32 $0x0;
	s29 =	simm.s32 $0x10;
	v3 =	vld [tilespmem:s28+$0x0]  }
.LBB2_11:
0xe7: {  	p3 =	sne.s32 s29, $0x170;
	_ =	sdelay $0x3  }
0xe8: {  	v4 =	vmov s26;
	v5 =	vshrl.u32 v3, $0x3  }
0xe9: {  	v4 =	vshll.u32 v4, $0x3;
	v5 =	vmul.u32 $0xC00, v5  }
0xea: {  	v4 =	vand.u32 $0xC00, v4;
	v3 =	vshll.u32 v3, $0x7  }
0xeb: {  	v6 =	vor.u32 s26, v1;
	s26 =	smov.u32 s29;
	v3 =	vand.u32 $0x380, v3;
	v4 =	vadd.s32 v4, v5  }
0xec: {  	v5 =	vand.u32 $0x7F, v6;
	v3 =	vor.u32 v3, v4  }
0xed: {  	v3 =	vor.u32 v5, v3;
	_ =	sdelay $0x1  }
.Ltmp6:
0xee: {  	(pc) =	sbr.rel @p3 .LBB2_11-.Ltmp6, $3  }
0xef: {  	_ =	sdelay $0x1  }
0xf0: {  	s28 =	sadd.s32 $0x10, s28;
	[tilespmem:v3+s14+$0x0] =	vst.idx.msk $0xffff, v0  }
0xf1: {  	s29 =	sadd.s32 $0x10, s29;
	v3 =	vld [tilespmem:s28+$0x0]  }
0xf2: {  	_ =	sdelay $0x3  }
0xf3: {  	v4 =	vmov s26;
	v5 =	vshrl.u32 v3, $0x3  }
0xf4: {  	v4 =	vshll.u32 v4, $0x3;
	v5 =	vmul.u32 $0xC00, v5  }
0xf5: {  	v4 =	vand.u32 $0xC00, v4;
	v3 =	vshll.u32 v3, $0x7  }
0xf6: {  	v6 =	vor.u32 s26, v1;
	v3 =	vand.u32 $0x380, v3;
	v4 =	vadd.s32 v4, v5  }
0xf7: {  	v5 =	vand.u32 $0x7F, v6;
	v3 =	vor.u32 v3, v4  }
0xf8: {  	v3 =	vor.u32 v5, v3;
	_ =	sdelay $0x2  }
0xf9: {  	s2 =	simm.s32 $0x0;
	s26 =	sadd.s32 $0x0, s24  }
0xfa: {  	s26 =	sand.u32 $0x1F80, s26;
	s28 =	sand.u32 $0x70, s2  }
0xfb: {  	s26 =	sor.u32 s28, s26;
	[tilespmem:v3+s14+$0x0] =	vst.idx.msk $0xffff, v0  }
0xfc: {  	v3 =	vld [tilespmem:s26+$0x0];
	_ =	sdelay $0x7  }
0xfd: {  	v3 =	vld.idx.msk [tilespmem:v3+s12+$0x0], $0xffff;
	_ =	sdelay $0x4  }
0xfe: {  	v4 =	vmov s2;
	v5 =	vshrl.u32 v3, $0x3  }
0xff: {  	v4 =	vshll.u32 v4, $0x3;
	v5 =	vmul.u32 $0xC00, v5  }
0x100: {  	v4 =	vand.u32 $0xC00, v4;
	v62 =	vshll.u32 v3, $0x7  }
0x101: {  	v7 =	vor.u32 s2, v1;
	v4 =	vadd.s32 v4, v5;
	v5 =	vand.u32 $0x380, v62  }
0x102: {  	v63 =	vand.u32 $0x7F, v7;
	v4 =	vor.u32 v5, v4  }
0x103: {  	v4 =	vor.u32 v63, v4;
	_ =	sdelay $0x2  }
0x104: {  	s29 =	simm.s32 $0x10  }
0x105: {  	s30 =	simm.s32 $0x20;
	s28 =	simm.s32 $0x1AF00;
	s2 =	sadd.s32 $0x10, s24  }
0x106: {  	s31 =	sand.u32 $0x1F80, s2;
	s2 =	sand.u32 $0x70, s29;
	s26 =	smul.u32 $0x300, s23;
	[tilespmem:v4+s14+$0x0] =	vst.idx.msk $0xffff, v2  }
.LBB2_13:
0x107: {  	p3 =	sne.s32 s30, $0x170;
	s2 =	sor.u32 s2, s31;
	[tilespmem:s28+$0x0] =	vst v3  }
0x108: {  	v3 =	vld [tilespmem:s2+$0x0];
	_ =	sdelay $0x7  }
0x109: {  	v3 =	vld.idx.msk [tilespmem:v3+s12+$0x0], $0xffff;
	_ =	sdelay $0x5  }
0x10a: {  	v4 =	vmov s29;
	v5 =	vshrl.u32 v3, $0x3  }
0x10b: {  	v4 =	vshll.u32 v4, $0x3;
	v5 =	vmul.u32 $0xC00, v5  }
0x10c: {  	v4 =	vand.u32 $0xC00, v4;
	v6 =	vshll.u32 v3, $0x7  }
0x10d: {  	v7 =	vor.u32 s29, v1;
	s29 =	smov.u32 s30;
	v4 =	vadd.s32 v4, v5;
	v5 =	vand.u32 $0x380, v6  }
0x10e: {  	v6 =	vand.u32 $0x7F, v7;
	v4 =	vor.u32 v5, v4  }
0x10f: {  	v4 =	vor.u32 v6, v4  }
.Ltmp7:
0x110: {  	(pc) =	sbr.rel @p3 .LBB2_13-.Ltmp7, $3  }
0x111: {  	_ =	sdelay $0x1  }
0x112: {  	s28 =	sadd.s32 $0x10, s28;
	s2 =	sadd.s32 s30, s24  }
0x113: {  	s30 =	sadd.s32 $0x10, s30;
	s31 =	sand.u32 $0x1F80, s2;
	s2 =	sand.u32 $0x70, s29;
	[tilespmem:v4+s14+$0x0] =	vst.idx.msk $0xffff, v2  }
0x114: {  	s2 =	sor.u32 s2, s31;
	[tilespmem:s28+$0x0] =	vst v3  }
0x115: {  	v3 =	vld [tilespmem:s2+$0x0];
	_ =	sdelay $0x7  }
0x116: {  	v3 =	vld.idx.msk [tilespmem:v3+s12+$0x0], $0xffff;
	_ =	sdelay $0x4  }
0x117: {  	v4 =	vmov s29;
	v5 =	vshrl.u32 v3, $0x3  }
0x118: {  	v4 =	vshll.u32 v4, $0x3;
	v5 =	vmul.u32 $0xC00, v5  }
0x119: {  	v4 =	vand.u32 $0xC00, v4;
	v6 =	vshll.u32 v3, $0x7  }
0x11a: {  	v7 =	vor.u32 s29, v1;
	v4 =	vadd.s32 v4, v5;
	v5 =	vand.u32 $0x380, v6  }
0x11b: {  	v63 =	vand.u32 $0x7F, v7;
	v4 =	vor.u32 v5, v4  }
0x11c: {  	v4 =	vor.u32 v63, v4;
	_ =	sdelay $0x4  }
0x11d: {  	s31 =	sadd.s32 $0x10, s28;
	[tilespmem:v4+s14+$0x0] =	vst.idx.msk $0xffff, v2  }
0x11e: {  	[tilespmem:s31+$0x0] =	vst v3;
	s31 =	sadd.s32 s26, s8  }
0x11f: {  	[hbm4b:s31+s15] =	stream.strided.scatter [tilespmem:s14], [sflag:$0x1], $0x9C00, s16, s15, $0x38;
	[tilespmem:$0x1B200] =	vst v63  }
0x120: {  	_ =	swait.ge [sflag:s19], $0x9C00  }
0x121: {  	[sflag:s19] =	ssyncset.done $0x0  }
0x122: {  	s29 =	simm.s32 $0x1B080;
	[sflag:s19] =	ssyncadd.s32 $0xFFFF6400  }
0x123: {  	s28 =	simm.s32 $0x0;
	s30 =	simm.s32 $0x10;
	v3 =	vld [tilespmem:s29+$0x0]  }
.LBB2_15:
0x124: {  	p3 =	sne.s32 s30, $0x170;
	_ =	sdelay $0x3  }
0x125: {  	v4 =	vmov s28;
	v5 =	vshrl.u32 v3, $0x3  }
0x126: {  	v4 =	vshll.u32 v4, $0x3;
	v5 =	vmul.u32 $0xC00, v5  }
0x127: {  	v4 =	vand.u32 $0xC00, v4;
	v3 =	vshll.u32 v3, $0x7  }
0x128: {  	v6 =	vor.u32 s28, v1;
	s28 =	smov.u32 s30;
	v3 =	vand.u32 $0x380, v3;
	v4 =	vadd.s32 v4, v5  }
0x129: {  	v5 =	vand.u32 $0x7F, v6;
	v3 =	vor.u32 v3, v4  }
0x12a: {  	v3 =	vor.u32 v5, v3;
	_ =	sdelay $0x1  }
.Ltmp8:
0x12b: {  	(pc) =	sbr.rel @p3 .LBB2_15-.Ltmp8, $3  }
0x12c: {  	_ =	sdelay $0x1  }
0x12d: {  	s29 =	sadd.s32 $0x10, s29;
	[tilespmem:v3+s17+$0x0] =	vst.idx.msk $0xffff, v0  }
0x12e: {  	s30 =	sadd.s32 $0x10, s30;
	v3 =	vld [tilespmem:s29+$0x0]  }
0x12f: {  	_ =	sdelay $0x3  }
0x130: {  	v4 =	vmov s28;
	v5 =	vshrl.u32 v3, $0x3  }
0x131: {  	v4 =	vshll.u32 v4, $0x3;
	v5 =	vmul.u32 $0xC00, v5  }
0x132: {  	v4 =	vand.u32 $0xC00, v4;
	v3 =	vshll.u32 v3, $0x7  }
0x133: {  	v6 =	vor.u32 s28, v1;
	v3 =	vand.u32 $0x380, v3;
	v4 =	vadd.s32 v4, v5  }
0x134: {  	v5 =	vand.u32 $0x7F, v6;
	v3 =	vor.u32 v3, v4  }
0x135: {  	v3 =	vor.u32 v5, v3;
	_ =	sdelay $0x2  }
0x136: {  	s2 =	simm.s32 $0x0;
	s28 =	sadd.s32 $0x0, s25  }
0x137: {  	s28 =	sand.u32 $0x3F80, s28;
	s29 =	sand.u32 $0x70, s2  }
0x138: {  	s28 =	sor.u32 s29, s28;
	[tilespmem:v3+s17+$0x0] =	vst.idx.msk $0xffff, v0  }
0x139: {  	v3 =	vld [tilespmem:s28+$0x0];
	_ =	sdelay $0x7  }
0x13a: {  	v3 =	vld.idx.msk [tilespmem:v3+s12+$0x0], $0xffff;
	_ =	sdelay $0x4  }
0x13b: {  	v4 =	vmov s2;
	v5 =	vshrl.u32 v3, $0x3  }
0x13c: {  	v4 =	vshll.u32 v4, $0x3;
	v5 =	vmul.u32 $0xC00, v5  }
0x13d: {  	v4 =	vand.u32 $0xC00, v4;
	v62 =	vshll.u32 v3, $0x7  }
0x13e: {  	v7 =	vor.u32 s2, v1;
	v4 =	vadd.s32 v4, v5;
	v5 =	vand.u32 $0x380, v62  }
0x13f: {  	v63 =	vand.u32 $0x7F, v7;
	v4 =	vor.u32 v5, v4  }
0x140: {  	v4 =	vor.u32 v63, v4;
	_ =	sdelay $0x2  }
0x141: {  	s26 =	sadd.s32 $0x180, s26  }
0x142: {  	s30 =	simm.s32 $0x20;
	s29 =	simm.s32 $0x10;
	s2 =	sadd.s32 $0x10, s25  }
0x143: {  	s31 =	sand.u32 $0x3F80, s2;
	s2 =	sand.u32 $0x70, s29;
	s28 =	simm.s32 $0x1B080;
	[tilespmem:v4+s17+$0x0] =	vst.idx.msk $0xffff, v2  }
.LBB2_17:
0x144: {  	p3 =	sne.s32 s30, $0x170;
	s2 =	sor.u32 s2, s31;
	[tilespmem:s28+$0x0] =	vst v3  }
0x145: {  	v3 =	vld [tilespmem:s2+$0x0];
	_ =	sdelay $0x7  }
0x146: {  	v3 =	vld.idx.msk [tilespmem:v3+s12+$0x0], $0xffff;
	_ =	sdelay $0x5  }
0x147: {  	v4 =	vmov s29;
	v5 =	vshrl.u32 v3, $0x3  }
0x148: {  	v4 =	vshll.u32 v4, $0x3;
	v5 =	vmul.u32 $0xC00, v5  }
0x149: {  	v4 =	vand.u32 $0xC00, v4;
	v6 =	vshll.u32 v3, $0x7  }
0x14a: {  	v7 =	vor.u32 s29, v1;
	s29 =	smov.u32 s30;
	v4 =	vadd.s32 v4, v5;
	v5 =	vand.u32 $0x380, v6  }
0x14b: {  	v6 =	vand.u32 $0x7F, v7;
	v4 =	vor.u32 v5, v4  }
0x14c: {  	v4 =	vor.u32 v6, v4  }
.Ltmp9:
0x14d: {  	(pc) =	sbr.rel @p3 .LBB2_17-.Ltmp9, $3  }
0x14e: {  	_ =	sdelay $0x1  }
0x14f: {  	s28 =	sadd.s32 $0x10, s28;
	s2 =	sadd.s32 s30, s25  }
0x150: {  	s30 =	sadd.s32 $0x10, s30;
	s31 =	sand.u32 $0x3F80, s2;
	s2 =	sand.u32 $0x70, s29;
	[tilespmem:v4+s17+$0x0] =	vst.idx.msk $0xffff, v2  }
0x151: {  	s2 =	sor.u32 s2, s31;
	[tilespmem:s28+$0x0] =	vst v3  }
0x152: {  	v3 =	vld [tilespmem:s2+$0x0];
	_ =	sdelay $0x7  }
0x153: {  	v3 =	vld.idx.msk [tilespmem:v3+s12+$0x0], $0xffff;
	_ =	sdelay $0x4  }
0x154: {  	v4 =	vmov s29;
	v5 =	vshrl.u32 v3, $0x3  }
0x155: {  	v4 =	vshll.u32 v4, $0x3;
	v5 =	vmul.u32 $0xC00, v5  }
0x156: {  	v4 =	vand.u32 $0xC00, v4;
	v6 =	vshll.u32 v3, $0x7  }
0x157: {  	v7 =	vor.u32 s29, v1;
	v62 =	vand.u32 $0x380, v6;
	v4 =	vadd.s32 v4, v5  }
0x158: {  	v63 =	vand.u32 $0x7F, v7;
	v4 =	vor.u32 v62, v4  }
0x159: {  	v4 =	vor.u32 v63, v4  }
0x15a: {  	s23 =	sadd.s32 $0x1, s23  }
0x15b: {  	p3 =	sne.s32 s23, $0x4  }
.Ltmp10:
0x15c: {  	_ = 	snop;
	(pc) =	sbr.rel @p3 .LBB2_10-.Ltmp10, $4  }
0x15d: {  	_ = 	snop  }
0x15e: {  	s30 =	sadd.s32 $0x10, s28;
	[tilespmem:v4+s17+$0x0] =	vst.idx.msk $0xffff, v2  }
0x15f: {  	s31 =	sadd.s32 s26, s8;
	s24 =	sadd.s32 $0x300, s24;
	s25 =	sadd.s32 $0x300, s25;
	[tilespmem:s30+$0x0] =	vst v3  }
0x160: {  	[hbm4b:s31+s15] =	stream.strided.scatter [tilespmem:s17], [sflag:$0x2], $0x9C00, s16, s15, $0x38;
	[tilespmem:$0x1B200] =	vst v63  }
.Ltmp11:
0x161: {  	(pc) =	sbr.rel @p0 .LBB2_25-.Ltmp11, $1  }
0x162: {  	_ =	sdelay $0x3  }
0x163: {  	_ =	swait.ge [sflag:s18], $0x9C00  }
0x164: {  	s23 =	simm.s32 $0x0;
	s24 =	simm.s32 $0x1AF00;
	[sflag:s18] =	ssyncset.done $0x0  }
0x165: {  	s25 =	simm.s32 $0x1AF00;
	s26 =	simm.s32 $0x0;
	[sflag:s18] =	ssyncadd.s32 $0xFFFF6400  }
.LBB2_21:
0x166: {  	v3 =	vld [tilespmem:s25+$0x0];
	_ =	sdelay $0x4  }
0x167: {  	v4 =	vmov s26;
	v5 =	vshrl.u32 v3, $0x3  }
0x168: {  	v4 =	vshll.u32 v4, $0x3;
	v5 =	vmul.u32 $0xC00, v5  }
0x169: {  	v4 =	vand.u32 $0xC00, v4;
	v3 =	vshll.u32 v3, $0x7  }
0x16a: {  	v6 =	vor.u32 s26, v1;
	v3 =	vand.u32 $0x380, v3;
	v4 =	vadd.s32 v4, v5  }
0x16b: {  	v63 =	vand.u32 $0x7F, v6;
	v3 =	vor.u32 v3, v4  }
0x16c: {  	p3 =	sne.s32 s26, $0x170;
	v3 =	vor.u32 v63, v3  }
.Ltmp12:
0x16d: {  	_ = 	snop;
	(pc) =	sbr.rel @p3 .LBB2_21-.Ltmp12, $2  }
0x16e: {  	_ =	sdelay $0x2  }
0x16f: {  	s25 =	sadd.s32 $0x10, s25;
	s26 =	sadd.s32 $0x10, s26;
	[tilespmem:v3+s14+$0x0] =	vst.idx.msk $0xffff, v0  }
0x170: {  	s25 =	simm.s32 $0xC00  }
.LBB2_23:
0x171: {  	v3 =	vld [tilespmem:s25+$0x0];
	_ =	sdelay $0x7  }
0x172: {  	v3 =	vld.idx.msk [tilespmem:v3+s12+$0x0], $0xffff;
	_ =	sdelay $0x4  }
0x173: {  	v4 =	vmov s23;
	v5 =	vshrl.u32 v3, $0x3  }
0x174: {  	v4 =	vshll.u32 v4, $0x3;
	v5 =	vmul.u32 $0xC00, v5  }
0x175: {  	v4 =	vand.u32 $0xC00, v4;
	v6 =	vshll.u32 v3, $0x7  }
0x176: {  	v63 =	vor.u32 s23, v1;
	v6 =	vand.u32 $0x380, v6;
	v4 =	vadd.s32 v4, v5  }
0x177: {  	v5 =	vand.u32 $0x7F, v63;
	v4 =	vor.u32 v6, v4  }
0x178: {  	v4 =	vor.u32 v5, v4  }
0x179: {  	p3 =	sne.s32 s23, $0x170  }
.Ltmp13:
0x17a: {  	_ = 	snop;
	(pc) =	sbr.rel @p3 .LBB2_23-.Ltmp13, $3  }
0x17b: {  	_ =	sdelay $0x1  }
0x17c: {  	[tilespmem:v4+s14+$0x0] =	vst.idx.msk $0xffff, v2  }
0x17d: {  	s25 =	sadd.s32 $0x10, s25;
	s23 =	sadd.s32 $0x10, s23;
	[tilespmem:s24+$0x0] =	vst v3;
	s24 =	sadd.s32 $0x10, s24  }
0x17e: {  	[hbm4b:s10+s15] =	stream.strided.scatter [tilespmem:s14], [sflag:$0x1], $0x9C00, s16, s15, $0x38;
	[tilespmem:$0x1B200] =	vst v63  }
0x17f: {  	_ =	swait.ge [sflag:s19], $0x9C00  }
0x180: {  	[sflag:s19] =	ssyncset.done $0x0  }
0x181: {  	[sflag:s19] =	ssyncadd.s32 $0xFFFF6400  }
0x182: {  	_ =	swait.ge [sflag:s18], $0x9C00  }
0x183: {  	[sflag:s18] =	ssyncset.done $0x0  }
0x184: {  	[sflag:s18] =	ssyncadd.s32 $0xFFFF6400  }
.LBB2_25:
.Ltmp14:
0x185: {  	(pc) =	sbr.rel @p1 .LBB2_31-.Ltmp14, $2  }
0x186: {  	_ =	sdelay $0x2  }
0x187: {  	s23 =	simm.s32 $0x0  }
0x188: {  	s2 =	sand.u32 $0x7800, s23;
	s24 =	sand.u32 $0x380, s23  }
0x189: {  	s2 =	sor.u32 s24, s2  }
0x18a: {  	s24 =	sadd.s32 $0x14700, s2;
	[tilespmem:s2+$0x14700] =	vst v0  }
0x18b: {  	[tilespmem:s24+$0x10] =	vst v0  }
0x18c: {  	[tilespmem:s24+$0x20] =	vst v0  }
0x18d: {  	[tilespmem:s24+$0x30] =	vst v0  }
0x18e: {  	[tilespmem:s24+$0x40] =	vst v0  }
0x18f: {  	[tilespmem:s24+$0x50] =	vst v0  }
0x190: {  	[tilespmem:s24+$0x60] =	vst v0  }
0x191: {  	[tilespmem:s24+$0x70] =	vst v0  }
0x192: {  	[tilespmem:s24+$0x400] =	vst v0  }
0x193: {  	[tilespmem:s24+$0x410] =	vst v0  }
0x194: {  	[tilespmem:s24+$0x420] =	vst v0  }
0x195: {  	[tilespmem:s24+$0x430] =	vst v0  }
0x196: {  	[tilespmem:s24+$0x440] =	vst v0  }
0x197: {  	s26 =	sadd.s32 $0x100, s23;
	s25 =	sadd.s32 $0x80, s23;
	[tilespmem:s24+$0x450] =	vst v0  }
0x198: {  	s28 =	sand.u32 $0x7800, s26;
	s26 =	sadd.s32 $0x100, s26;
	s2 =	sand.u32 $0x380, s25;
	[tilespmem:s24+$0x460] =	vst v0  }
.LBB2_27:
0x199: {  	p3 =	sne.s32 s26, $0x6300;
	s2 =	sor.u32 s2, s28;
	[tilespmem:s24+$0x470] =	vst v0  }
0x19a: {  	s24 =	sadd.s32 $0x14700, s2;
	[tilespmem:s2+$0x14700] =	vst v0  }
0x19b: {  	[tilespmem:s24+$0x10] =	vst v0  }
0x19c: {  	[tilespmem:s24+$0x20] =	vst v0  }
0x19d: {  	[tilespmem:s24+$0x30] =	vst v0  }
0x19e: {  	[tilespmem:s24+$0x40] =	vst v0  }
0x19f: {  	[tilespmem:s24+$0x50] =	vst v0  }
0x1a0: {  	[tilespmem:s24+$0x60] =	vst v0  }
0x1a1: {  	[tilespmem:s24+$0x70] =	vst v0  }
0x1a2: {  	[tilespmem:s24+$0x400] =	vst v0  }
0x1a3: {  	[tilespmem:s24+$0x410] =	vst v0  }
.Ltmp15:
0x1a4: {  	[tilespmem:s24+$0x420] =	vst v0;
	(pc) =	sbr.rel @p3 .LBB2_27-.Ltmp15, $4  }
0x1a5: {  	[tilespmem:s24+$0x430] =	vst v0  }
0x1a6: {  	[tilespmem:s24+$0x440] =	vst v0  }
0x1a7: {  	s25 =	sadd.s32 $0x80, s25;
	[tilespmem:s24+$0x450] =	vst v0  }
0x1a8: {  	s28 =	sand.u32 $0x7800, s26;
	s26 =	sadd.s32 $0x100, s26;
	s2 =	sand.u32 $0x380, s25;
	[tilespmem:s24+$0x460] =	vst v0  }
0x1a9: {  	s2 =	sor.u32 s2, s28;
	[tilespmem:s24+$0x470] =	vst v0  }
0x1aa: {  	s31 =	sadd.s32 $0x14700, s2;
	[tilespmem:s2+$0x14700] =	vst v0  }
0x1ab: {  	[tilespmem:s31+$0x10] =	vst v0  }
0x1ac: {  	[tilespmem:s31+$0x20] =	vst v0  }
0x1ad: {  	[tilespmem:s31+$0x30] =	vst v0  }
0x1ae: {  	[tilespmem:s31+$0x40] =	vst v0  }
0x1af: {  	[tilespmem:s31+$0x50] =	vst v0  }
0x1b0: {  	[tilespmem:s31+$0x60] =	vst v0  }
0x1b1: {  	[tilespmem:s31+$0x70] =	vst v0  }
0x1b2: {  	[tilespmem:s31+$0x400] =	vst v0  }
0x1b3: {  	[tilespmem:s31+$0x410] =	vst v0  }
0x1b4: {  	[tilespmem:s31+$0x420] =	vst v0  }
0x1b5: {  	[tilespmem:s31+$0x430] =	vst v0  }
0x1b6: {  	[tilespmem:s31+$0x440] =	vst v0  }
0x1b7: {  	[tilespmem:s31+$0x450] =	vst v0  }
0x1b8: {  	[tilespmem:s31+$0x460] =	vst v0  }
0x1b9: {  	s24 =	simm.s32 $0xD80;
	[tilespmem:s31+$0x470] =	vst v0  }
.LBB2_29:
0x1ba: {  	v3 =	vld [tilespmem:s24+$0x0];
	_ =	sdelay $0x7  }
0x1bb: {  	v3 =	vld.idx.msk [tilespmem:v3+s12+$0x0], $0xffff;
	_ =	sdelay $0x2  }
0x1bc: {  	v4 =	vmov s23  }
0x1bd: {  	v5 =	vor.u32 s23, v1;
	v4 =	vshll.u32 v4, $0x3  }
0x1be: {  	v5 =	vand.u32 $0x7F, v5;
	v4 =	vand.u32 $0x400, v4;
	v6 =	vshll.u32 v3, $0x8  }
0x1bf: {  	v4 =	vor.u32 v4, v5;
	v3 =	vshll.u32 v3, $0x7;
	v6 =	vand.u32 $0xFFFFF800, v6  }
0x1c0: {  	v3 =	vand.u32 $0x380, v3;
	v4 =	vor.u32 v6, v4  }
0x1c1: {  	p3 =	sne.s32 s23, $0x90;
	v3 =	vor.u32 v3, v4  }
.Ltmp16:
0x1c2: {  	_ = 	snop;
	(pc) =	sbr.rel @p3 .LBB2_29-.Ltmp16, $2  }
0x1c3: {  	_ =	sdelay $0x2  }
0x1c4: {  	s24 =	sadd.s32 $0x10, s24;
	s23 =	sadd.s32 $0x10, s23;
	[tilespmem:v3+s20+$0x0] =	vst.idx.msk $0xffff, v2  }
0x1c5: {  	[hbm4b:s4+s3] =	stream.linear.scatter [tilespmem:s20], [sflag:$0x3], $0x6800, $0x38;
	[tilespmem:$0x1B200] =	vst v63  }
0x1c6: {  	_ =	swait.ge [sflag:s18], $0x9C00  }
0x1c7: {  	[sflag:s18] =	ssyncset.done $0x0  }
0x1c8: {  	[sflag:s18] =	ssyncadd.s32 $0xFFFF6400  }
0x1c9: {  	_ =	swait.ge [sflag:s19], $0x9C00  }
.Ltmp17:
0x1ca: {  	[sflag:s19] =	ssyncset.done $0x0;
	(pc) =	sbr.rel .LBB2_32-.Ltmp17, $4  }
0x1cb: {  	[sflag:s19] =	ssyncadd.s32 $0xFFFF6400  }
0x1cc: {  	_ =	swait.ge [sflag:s21], $0x6800  }
0x1cd: {  	[sflag:s21] =	ssyncset.done $0x0  }
0x1ce: {  	[sflag:s21] =	ssyncadd.s32 $0xFFFF9800  }
.LBB2_33:
0x1cf: {  	_ =	sfence.sel $0x180000  }
0x1d0: {  	[bflag:$0x0] =	sbarrier.arrive $0xFFFF  }
0x1d1: {  	_ =	strace $0x90000047  }
0x1d2: {  	[bflag:$0x2] =	sbarrier.arrive $0xFFFF  }
0x1d3: {  	p0 =	sne.s32 s0, $0x0;
	s0 =	rddreg [dreg:$0x4]  }
0x1d4: {  	s0 =	sadd.s32 @!p0 $0x100000, s0  }
0x1d5: {  	[sflag:s0] =	ssyncadd.tile.s32 @!p0 $0x1;
	_ =	shalt  }
.Lfunc_end2:
_tile_overlayer_lowered:
.L_overlay_start_2:
0x1d6: {  	(tag) =	ssettag $0x2  }
0x1d7: {  	s0 =	rddreg [dreg:$0x0];
	s2 =	stileid.u32  }
0x1d8: {  	s1 =	rddreg [dreg:$0x1];
	p0 =	sne.s32 s2, $0x0  }
0x1d9: {  	s3 =	rddreg [dreg:$0x2];
	[bflag:$0x3] =	sbarrier.arrive $0xFFFF;
	s2 =	simm.s32 @!p0 $0x1C04  }
0x1da: {  	[timem:s3], [sflag:s2] =	dma.local @!p0 [hbm:s0], s1  }
0x1db: {  	s0 =	simm.s32 @!p0 $0x4  }
0x1dc: {  	_ =	swait.ge @!p0 [sflag:s0], s1  }
0x1dd: {  	s1 =	ssub.s32 @!p0 $0x0, s1;
	[sflag:s0] =	ssyncset.done @!p0 $0x0  }
0x1de: {  	[sflag:s0] =	ssyncadd.s32 @!p0 s1  }
0x1df: {  	[bflag:$0x3] =	sbarrier.arrive $0xFFFF  }
0x1e0: {  	_ =	shalt  }

</sc_bundles>
